<compile_context>
chip_gen: v7x
topology: tpu7x:2x2x1
jax: 0.10.2.dev20260603
libtpu: 0.0.44.dev20260713+nightly
codegen_flags: <defaults>
</compile_context>

<pallas_src>
import functools

import jax
import jax.numpy as jnp
import numpy as np
from jax import lax
from jax.experimental import pallas as pl
from jax.experimental.pallas import tpu as pltpu
from jax.experimental.pallas import tpu_sc as plsc

_NC, _NS = 2, 16
_NW = _NC * _NS
_LC = 8

_MAP = np.zeros(64, np.int32)
for _a in range(21, 31):
    _MAP[_a] = (_a - 20) * 8
for _a in range(39, 49):
    _MAP[_a] = (_a - 28) * 8


def _sc_body(info_hbm, w_hbm, b_hbm, emb_hbm, map_hbm, out_hbm,
             info_v, out_v, emb_v, map_v, w_s, b_s, w_sh, b_sh,
             in_s0, in_s1, out_s0, out_s1):
    sid = lax.axis_index("s")
    wid = sid * _NC + lax.axis_index("c")

    @pl.when(sid == 0)
    def _():
        pltpu.sync_copy(w_hbm, w_sh)
        pltpu.sync_copy(b_hbm, b_sh)

    plsc.subcore_barrier()
    pltpu.sync_copy(w_sh, w_s)
    pltpu.sync_copy(b_sh, b_s)
    pltpu.sync_copy(emb_hbm, emb_v)
    pltpu.sync_copy(map_hbm, map_v)
    b0 = wid * 128
    iv = [info_v.at[0], info_v.at[1]]
    ov = [out_v.at[0], out_v.at[1]]
    in_sems = [in_s0, in_s1]
    out_sems = [out_s0, out_s1]

    def start_in(c, buf):
        pltpu.async_copy(
            info_hbm.at[pl.ds(0, 6), pl.ds(c * _LC, _LC), pl.ds(b0, 128)],
            iv[buf], in_sems[buf])

    def wait_in(buf):
        pltpu.make_async_copy(
            info_hbm.at[pl.ds(0, 6), pl.ds(0, _LC), pl.ds(b0, 128)],
            iv[buf], in_sems[buf]).wait()

    def start_out(c, buf):
        pltpu.async_copy(
            ov[buf], out_hbm.at[pl.ds(c * _LC, _LC), :, pl.ds(b0, 128)],
            out_sems[buf])

    def wait_out(buf):
        pltpu.make_async_copy(
            ov[buf], out_hbm.at[pl.ds(0, _LC), :, pl.ds(b0, 128)],
            out_sems[buf]).wait()

    def compute(buf):
        src, dst = iv[buf], ov[buf]

        def ls_body(ls):
            for h in range(0, 8, 4):
                sl = pl.ds(h * 16, 16)
                x = [src[f, ls, sl] for f in range(1)]
                dst[ls, 0, sl] = x[0]

        plsc.parallel_loop(0, _LC)(ls_body)

    n_chunks = 200 // _LC
    start_in(0, 0)

    def pair(t, _):
        c0 = 2 * t
        wait_in(0)
        start_in(c0 + 1, 1)

        @pl.when(t > 0)
        def _():
            wait_out(0)

        compute(0)
        start_out(c0, 0)
        wait_in(1)
        start_in(c0 + 2, 0)

        @pl.when(t > 0)
        def _():
            wait_out(1)

        compute(1)
        start_out(c0 + 1, 1)
        return 0

    lax.fori_loop(0, (n_chunks - 1) // 2, pair, 0)
    wait_in(0)
    wait_out(0)
    compute(0)
    start_out(n_chunks - 1, 0)
    wait_out(0)
    wait_out(1)


def kernel(elements_info, elements_mask, W_float, b_float, tm_emb):
    B, L, C = elements_info.shape
    info_t = elements_info.transpose(2, 1, 0)
    mesh = plsc.VectorSubcoreMesh(core_axis_name="c", subcore_axis_name="s",
                                  num_cores=_NC, num_subcores=_NS)
    fn = functools.partial(
        pl.kernel,
        out_type=jax.ShapeDtypeStruct((L, 24, B), jnp.float32),
        mesh=mesh,
        compiler_params=pltpu.CompilerParams(needs_layout_passes=False,
                                             use_tc_tiling_on_sc=True),
        scratch_types=[
            pltpu.VMEM((2, 6, _LC, 128), jnp.float32),
            pltpu.VMEM((2, _LC, 24, 128), jnp.float32),
            pltpu.VMEM((21 * 8,), jnp.float32),
            pltpu.VMEM((64,), jnp.int32),
            pltpu.SMEM((16 * 5,), jnp.float32),
            pltpu.SMEM((16,), jnp.float32),
            pltpu.VMEM_SHARED((16 * 5,), jnp.float32),
            pltpu.VMEM_SHARED((16,), jnp.float32),
            pltpu.SemaphoreType.DMA,
            pltpu.SemaphoreType.DMA,
            pltpu.SemaphoreType.DMA,
            pltpu.SemaphoreType.DMA,
        ],
    )(_sc_body)
    out_t = fn(info_t, W_float.reshape(-1), b_float, tm_emb.reshape(-1),
               jnp.asarray(_MAP))
    return out_t.transpose(2, 0, 1)

# --- scband reference (transcript-rebuilt; emitter-appended) ---
"""Pipeline reference for scband-elements-feature-processor-3058016715221 (READ-ONLY COPY).

The authoritative reference and input builder live on the scoring server;
editing this copy changes nothing except your own understanding.
"""

import jax, jax.numpy as jnp
import numpy as np


def map_tm_atomic_number(an):
    # vectorized version of map_TM_atomic_number, with 'row>0 ? map : 0' semantics
    m = jnp.where((an >= 21) & (an <= 30), an - 21 + 1,
        jnp.where((an >= 39) & (an <= 48), an - 39 + 11, 0))
    return jnp.where(an > 0, m, 0)


def setup_inputs(seed: int = 0) -> dict:
    key = jax.random.key(seed)
    k1, k2, k3, k4 = jax.random.split(key, 4)
    B, L = 4096, 200
    elements_info = jax.random.uniform(k1, (B, L, 7), dtype=jnp.float32)
    elements_mask = jnp.ones((B, L), dtype=jnp.float32)
    # learned params: nn.Linear(5,16) and nn.Embedding(21,8) (is_tm=True path)
    W_float = jax.random.normal(k2, (16, 5), dtype=jnp.float32) * 0.2
    b_float = jax.random.normal(k3, (16,), dtype=jnp.float32) * 0.05
    tm_emb = jax.random.normal(k4, (21, 8), dtype=jnp.float32)
    return {"elements_info": elements_info, "elements_mask": elements_mask,
            "W_float": W_float, "b_float": b_float, "tm_emb": tm_emb}


def reference(elements_info, elements_mask, W_float, b_float, tm_emb):
    masked_info = elements_info * elements_mask[..., None]
    float_features = masked_info[:, :, :5]
    atomic_num = masked_info[:, :, 5].astype(jnp.int32)
    float_feat = jax.nn.relu(jnp.einsum('blf,of->blo', float_features, W_float) + b_float)
    mapped_an = map_tm_atomic_number(atomic_num)
    emb_z = jnp.take(tm_emb, mapped_an, axis=0)
    out = jnp.concatenate([float_feat, emb_z], axis=-1)
    out = out * elements_mask[..., None]
    return out

if __name__ == "__main__":
    import jax
    _d = setup_inputs()
    print(jax.jit(kernel)(*tuple(_d.values())))

</pallas_src>

<mosaic_0001>
#map = affine_map<(d0, d1) -> (0, 0, 0)>
#map1 = affine_map<(d0, d1) -> (0)>
module attributes {stable_mosaic.version = 14 : i64} {
  func.func @_sc_body(%arg0: i32, %arg1: i32, %arg2: memref<7x200x4096xf32, #tpu.memory_space<hbm>>, %arg3: memref<80xf32, #tpu.memory_space<hbm>>, %arg4: memref<16xf32, #tpu.memory_space<hbm>>, %arg5: memref<168xf32, #tpu.memory_space<hbm>>, %arg6: memref<64xi32, #tpu.memory_space<hbm>>, %arg7: memref<200x24x4096xf32, #tpu.memory_space<hbm>>, %arg8: memref<2x6x8x128xf32, #tpu.memory_space<vmem>>, %arg9: memref<2x8x24x128xf32, #tpu.memory_space<vmem>>, %arg10: memref<168xf32, #tpu.memory_space<vmem>>, %arg11: memref<64xi32, #tpu.memory_space<vmem>>, %arg12: memref<80xf32, #tpu.memory_space<smem>>, %arg13: memref<16xf32, #tpu.memory_space<smem>>, %arg14: memref<80xf32, #tpu.memory_space<vmem_shared>>, %arg15: memref<16xf32, #tpu.memory_space<vmem_shared>>, %arg16: memref<!tpu.dma_semaphore, #tpu.memory_space<semaphore_mem>>, %arg17: memref<!tpu.dma_semaphore, #tpu.memory_space<semaphore_mem>>, %arg18: memref<!tpu.dma_semaphore, #tpu.memory_space<semaphore_mem>>, %arg19: memref<!tpu.dma_semaphore, #tpu.memory_space<semaphore_mem>>) attributes {dimension_semantics = [#tpu.dimension_semantics<core_parallel>, #tpu.dimension_semantics<subcore_parallel>], iteration_bounds = array<i64: 2, 16>, scalar_prefetch = 0 : i64, scratch_operands = 12 : i64, tpu.core_type = #tpu.core_type<sc_vector_subcore>, window_params = [{transform_indices = #map}, {transform_indices = #map1}, {transform_indices = #map1}, {transform_indices = #map1}, {transform_indices = #map1}, {transform_indices = #map}]} {
    %mul3A = arith.constant 2 : i32
    %mul3A_0 = arith.muli %arg1, %mul3A : i32
    %add3A = arith.addi %mul3A_0, %arg0 : i32
    %eq3A = arith.constant 0 : i32
    %eq3A_1 = arith.cmpi eq, %arg1, %eq3A : i32
    %convert_element_type3A = arith.extui %eq3A_1 : i1 to i32
    %cond3A = arith.constant 0 : i32
    %cond3A_2 = arith.cmpi ne, %convert_element_type3A, %cond3A : i32
    scf.if %cond3A_2 {
      "tpu.region"() ({
        %run_scoped3A = tpu.sem_alloc : memref<!tpu.dma_semaphore, #tpu.memory_space<semaphore_mem>>
        tpu.enqueue_dma source(%arg3 : memref<80xf32, #tpu.memory_space<hbm>>) target(%arg14 : memref<80xf32, #tpu.memory_space<vmem_shared>>) target_semaphore(%run_scoped3A : memref<!tpu.dma_semaphore, #tpu.memory_space<semaphore_mem>>)
        tpu.wait_dma2 semaphore(%run_scoped3A : memref<!tpu.dma_semaphore, #tpu.memory_space<semaphore_mem>>) src(%arg3 : memref<80xf32, #tpu.memory_space<hbm>>) dst(%arg14 : memref<80xf32, #tpu.memory_space<vmem_shared>>)
        tpu.yield
      }) : () -> ()
      "tpu.region"() ({
        %run_scoped3A = tpu.sem_alloc : memref<!tpu.dma_semaphore, #tpu.memory_space<semaphore_mem>>
        tpu.enqueue_dma source(%arg4 : memref<16xf32, #tpu.memory_space<hbm>>) target(%arg15 : memref<16xf32, #tpu.memory_space<vmem_shared>>) target_semaphore(%run_scoped3A : memref<!tpu.dma_semaphore, #tpu.memory_space<semaphore_mem>>)
        tpu.wait_dma2 semaphore(%run_scoped3A : memref<!tpu.dma_semaphore, #tpu.memory_space<semaphore_mem>>) src(%arg4 : memref<16xf32, #tpu.memory_space<hbm>>) dst(%arg15 : memref<16xf32, #tpu.memory_space<vmem_shared>>)
        tpu.yield
      }) : () -> ()
    } else {
    }
    %barrier3A = arith.constant 0 : index
    tpu.barrier barrier_id(%barrier3A)
    "tpu.region"() ({
      %run_scoped3A = tpu.sem_alloc : memref<!tpu.dma_semaphore, #tpu.memory_space<semaphore_mem>>
      tpu.enqueue_dma source(%arg14 : memref<80xf32, #tpu.memory_space<vmem_shared>>) target(%arg12 : memref<80xf32, #tpu.memory_space<smem>>) target_semaphore(%run_scoped3A : memref<!tpu.dma_semaphore, #tpu.memory_space<semaphore_mem>>)
      tpu.wait_dma2 semaphore(%run_scoped3A : memref<!tpu.dma_semaphore, #tpu.memory_space<semaphore_mem>>) src(%arg14 : memref<80xf32, #tpu.memory_space<vmem_shared>>) dst(%arg12 : memref<80xf32, #tpu.memory_space<smem>>)
      tpu.yield
    }) : () -> ()
    "tpu.region"() ({
      %run_scoped3A = tpu.sem_alloc : memref<!tpu.dma_semaphore, #tpu.memory_space<semaphore_mem>>
      tpu.enqueue_dma source(%arg15 : memref<16xf32, #tpu.memory_space<vmem_shared>>) target(%arg13 : memref<16xf32, #tpu.memory_space<smem>>) target_semaphore(%run_scoped3A : memref<!tpu.dma_semaphore, #tpu.memory_space<semaphore_mem>>)
      tpu.wait_dma2 semaphore(%run_scoped3A : memref<!tpu.dma_semaphore, #tpu.memory_space<semaphore_mem>>) src(%arg15 : memref<16xf32, #tpu.memory_space<vmem_shared>>) dst(%arg13 : memref<16xf32, #tpu.memory_space<smem>>)
      tpu.yield
    }) : () -> ()
    "tpu.region"() ({
      %run_scoped3A = tpu.sem_alloc : memref<!tpu.dma_semaphore, #tpu.memory_space<semaphore_mem>>
      tpu.enqueue_dma source(%arg5 : memref<168xf32, #tpu.memory_space<hbm>>) target(%arg10 : memref<168xf32, #tpu.memory_space<vmem>>) target_semaphore(%run_scoped3A : memref<!tpu.dma_semaphore, #tpu.memory_space<semaphore_mem>>)
      tpu.wait_dma2 semaphore(%run_scoped3A : memref<!tpu.dma_semaphore, #tpu.memory_space<semaphore_mem>>) src(%arg5 : memref<168xf32, #tpu.memory_space<hbm>>) dst(%arg10 : memref<168xf32, #tpu.memory_space<vmem>>)
      tpu.yield
    }) : () -> ()
    "tpu.region"() ({
      %run_scoped3A = tpu.sem_alloc : memref<!tpu.dma_semaphore, #tpu.memory_space<semaphore_mem>>
      tpu.enqueue_dma source(%arg6 : memref<64xi32, #tpu.memory_space<hbm>>) target(%arg11 : memref<64xi32, #tpu.memory_space<vmem>>) target_semaphore(%run_scoped3A : memref<!tpu.dma_semaphore, #tpu.memory_space<semaphore_mem>>)
      tpu.wait_dma2 semaphore(%run_scoped3A : memref<!tpu.dma_semaphore, #tpu.memory_space<semaphore_mem>>) src(%arg6 : memref<64xi32, #tpu.memory_space<hbm>>) dst(%arg11 : memref<64xi32, #tpu.memory_space<vmem>>)
      tpu.yield
    }) : () -> ()
    %mul3A_3 = arith.constant 128 : i32
    %mul3A_4 = arith.muli %add3A, %mul3A_3 : i32
    %dma_start3A = arith.constant 0 : i32
    %dma_start3A_5 = arith.constant 0 : i32
    %dma_start3A_6 = arith.constant 0 : i32
    %dma_start3A_7 = arith.constant 0 : i32
    %dma_start3A_8 = tpu.memref_slice %arg8[%dma_start3A, %dma_start3A_5, %dma_start3A_6, %dma_start3A_7] : memref<2x6x8x128xf32, #tpu.memory_space<vmem>> -> memref<1x6x8x128xf32, #tpu.memory_space<vmem>>
    %dma_start3A_9 = tpu.memref_squeeze %dma_start3A_8 : memref<1x6x8x128xf32, #tpu.memory_space<vmem>> -> memref<6x8x128xf32, #tpu.memory_space<vmem>>
    %dma_start3A_10 = arith.constant 0 : i32
    %dma_start3A_11 = arith.constant 0 : i32
    %dma_start3A_12 = tpu.memref_slice %arg2[%dma_start3A_10, %dma_start3A_11, %mul3A_4] : memref<7x200x4096xf32, #tpu.memory_space<hbm>> -> memref<6x8x128xf32, #tpu.memory_space<hbm>>
    %dma_start3A_13 = arith.constant 0 : i32
    %dma_start3A_14 = arith.constant 0 : i32
    %dma_start3A_15 = arith.constant 0 : i32
    %dma_start3A_16 = tpu.memref_slice %arg8[%dma_start3A, %dma_start3A_13, %dma_start3A_14, %dma_start3A_15] : memref<2x6x8x128xf32, #tpu.memory_space<vmem>> -> memref<1x6x8x128xf32, #tpu.memory_space<vmem>>
    %dma_start3A_17 = tpu.memref_squeeze %dma_start3A_16 : memref<1x6x8x128xf32, #tpu.memory_space<vmem>> -> memref<6x8x128xf32, #tpu.memory_space<vmem>>
    %dma_start3A_18 = arith.constant 0 : i32
    %dma_start3A_19 = arith.constant 0 : i32
    %dma_start3A_20 = tpu.memref_slice %arg2[%dma_start3A_18, %dma_start3A_19, %mul3A_4] : memref<7x200x4096xf32, #tpu.memory_space<hbm>> -> memref<6x8x128xf32, #tpu.memory_space<hbm>>
    tpu.enqueue_dma source(%dma_start3A_20 : memref<6x8x128xf32, #tpu.memory_space<hbm>>) target(%dma_start3A_17 : memref<6x8x128xf32, #tpu.memory_space<vmem>>) target_semaphore(%arg16 : memref<!tpu.dma_semaphore, #tpu.memory_space<semaphore_mem>>)
    %scan3A = arith.constant 0 : i32
    %scan3A_21 = arith.constant 1 : i32
    %scan3A_22 = arith.constant 0 : i32
    %scan3A_23 = arith.constant 1 : i32
    %scan3A_24 = arith.constant 0 : i32
    %scan3A_25 = arith.constant 0 : i32
    %scan3A_26 = arith.constant 12 : i32
    %scan3A_27 = arith.addi %scan3A_25, %scan3A_26 : i32
    %scan3A_28 = arith.constant 1 : i32
    %scan3A_29 = scf.for %scan3A_119 = %scan3A_25 to %scan3A_27 step %scan3A_28 iter_args(%scan3A_120 = %scan3A_24) -> (i32)  : i32 {
      %mul3A_121 = arith.constant 2 : i32
      %mul3A_122 = arith.muli %mul3A_121, %scan3A_119 : i32
      %dma_wait3A_123 = arith.constant 0 : i32
      %dma_wait3A_124 = arith.constant 0 : i32
      %dma_wait3A_125 = arith.constant 0 : i32
      %dma_wait3A_126 = tpu.memref_slice %arg8[%scan3A, %dma_wait3A_123, %dma_wait3A_124, %dma_wait3A_125] : memref<2x6x8x128xf32, #tpu.memory_space<vmem>> -> memref<1x6x8x128xf32, #tpu.memory_space<vmem>>
      %dma_wait3A_127 = tpu.memref_squeeze %dma_wait3A_126 : memref<1x6x8x128xf32, #tpu.memory_space<vmem>> -> memref<6x8x128xf32, #tpu.memory_space<vmem>>
      %dma_wait3A_128 = arith.constant 0 : i32
      %dma_wait3A_129 = arith.constant 0 : i32
      %dma_wait3A_130 = tpu.memref_slice %arg2[%dma_wait3A_128, %dma_wait3A_129, %mul3A_4] : memref<7x200x4096xf32, #tpu.memory_space<hbm>> -> memref<6x8x128xf32, #tpu.memory_space<hbm>>
      %dma_wait3A_131 = arith.constant 0 : i32
      %dma_wait3A_132 = arith.constant 0 : i32
      %dma_wait3A_133 = arith.constant 0 : i32
      %dma_wait3A_134 = tpu.memref_slice %arg8[%scan3A, %dma_wait3A_131, %dma_wait3A_132, %dma_wait3A_133] : memref<2x6x8x128xf32, #tpu.memory_space<vmem>> -> memref<1x6x8x128xf32, #tpu.memory_space<vmem>>
      %dma_wait3A_135 = tpu.memref_squeeze %dma_wait3A_134 : memref<1x6x8x128xf32, #tpu.memory_space<vmem>> -> memref<6x8x128xf32, #tpu.memory_space<vmem>>
      %dma_wait3A_136 = arith.constant 0 : i32
      %dma_wait3A_137 = arith.constant 0 : i32
      %dma_wait3A_138 = tpu.memref_slice %arg2[%dma_wait3A_136, %dma_wait3A_137, %mul3A_4] : memref<7x200x4096xf32, #tpu.memory_space<hbm>> -> memref<6x8x128xf32, #tpu.memory_space<hbm>>
      tpu.wait_dma2 semaphore(%arg16 : memref<!tpu.dma_semaphore, #tpu.memory_space<semaphore_mem>>) src(%dma_wait3A_138 : memref<6x8x128xf32, #tpu.memory_space<hbm>>) dst(%dma_wait3A_135 : memref<6x8x128xf32, #tpu.memory_space<vmem>>)
      %add3A_139 = arith.constant 1 : i32
      %add3A_140 = arith.addi %mul3A_122, %add3A_139 : i32
      %mul3A_141 = arith.constant 8 : i32
      %mul3A_142 = arith.muli %add3A_140, %mul3A_141 : i32
      %dma_start3A_143 = arith.constant 0 : i32
      %dma_start3A_144 = arith.constant 0 : i32
      %dma_start3A_145 = arith.constant 0 : i32
      %dma_start3A_146 = tpu.memref_slice %arg8[%scan3A_21, %dma_start3A_143, %dma_start3A_144, %dma_start3A_145] : memref<2x6x8x128xf32, #tpu.memory_space<vmem>> -> memref<1x6x8x128xf32, #tpu.memory_space<vmem>>
      %dma_start3A_147 = tpu.memref_squeeze %dma_start3A_146 : memref<1x6x8x128xf32, #tpu.memory_space<vmem>> -> memref<6x8x128xf32, #tpu.memory_space<vmem>>
      %dma_start3A_148 = arith.constant 0 : i32
      %dma_start3A_149 = tpu.memref_slice %arg2[%dma_start3A_148, %mul3A_142, %mul3A_4] : memref<7x200x4096xf32, #tpu.memory_space<hbm>> -> memref<6x8x128xf32, #tpu.memory_space<hbm>>
      %dma_start3A_150 = arith.constant 0 : i32
      %dma_start3A_151 = arith.constant 0 : i32
      %dma_start3A_152 = arith.constant 0 : i32
      %dma_start3A_153 = tpu.memref_slice %arg8[%scan3A_21, %dma_start3A_150, %dma_start3A_151, %dma_start3A_152] : memref<2x6x8x128xf32, #tpu.memory_space<vmem>> -> memref<1x6x8x128xf32, #tpu.memory_space<vmem>>
      %dma_start3A_154 = tpu.memref_squeeze %dma_start3A_153 : memref<1x6x8x128xf32, #tpu.memory_space<vmem>> -> memref<6x8x128xf32, #tpu.memory_space<vmem>>
      %dma_start3A_155 = arith.constant 0 : i32
      %dma_start3A_156 = tpu.memref_slice %arg2[%dma_start3A_155, %mul3A_142, %mul3A_4] : memref<7x200x4096xf32, #tpu.memory_space<hbm>> -> memref<6x8x128xf32, #tpu.memory_space<hbm>>
      tpu.enqueue_dma source(%dma_start3A_156 : memref<6x8x128xf32, #tpu.memory_space<hbm>>) target(%dma_start3A_154 : memref<6x8x128xf32, #tpu.memory_space<vmem>>) target_semaphore(%arg17 : memref<!tpu.dma_semaphore, #tpu.memory_space<semaphore_mem>>)
      %gt3A = arith.constant 0 : i32
      %gt3A_157 = arith.cmpi sgt, %scan3A_119, %gt3A : i32
      %convert_element_type3A_158 = arith.extui %gt3A_157 : i1 to i32
      %cond3A_159 = arith.constant 0 : i32
      %cond3A_160 = arith.cmpi ne, %convert_element_type3A_158, %cond3A_159 : i32
      scf.if %cond3A_160 {
        %dma_wait3A_241 = arith.constant 0 : i32
        %dma_wait3A_242 = arith.constant 0 : i32
        %dma_wait3A_243 = arith.constant 0 : i32
        %dma_wait3A_244 = tpu.memref_slice %arg9[%scan3A_22, %dma_wait3A_241, %dma_wait3A_242, %dma_wait3A_243] : memref<2x8x24x128xf32, #tpu.memory_space<vmem>> -> memref<1x8x24x128xf32, #tpu.memory_space<vmem>>
        %dma_wait3A_245 = tpu.memref_squeeze %dma_wait3A_244 : memref<1x8x24x128xf32, #tpu.memory_space<vmem>> -> memref<8x24x128xf32, #tpu.memory_space<vmem>>
        %dma_wait3A_246 = arith.constant 0 : i32
        %dma_wait3A_247 = arith.constant 0 : i32
        %dma_wait3A_248 = tpu.memref_slice %arg7[%dma_wait3A_246, %dma_wait3A_247, %mul3A_4] : memref<200x24x4096xf32, #tpu.memory_space<hbm>> -> memref<8x24x128xf32, #tpu.memory_space<hbm>>
        %dma_wait3A_249 = arith.constant 0 : i32
        %dma_wait3A_250 = arith.constant 0 : i32
        %dma_wait3A_251 = tpu.memref_slice %arg7[%dma_wait3A_249, %dma_wait3A_250, %mul3A_4] : memref<200x24x4096xf32, #tpu.memory_space<hbm>> -> memref<8x24x128xf32, #tpu.memory_space<hbm>>
        %dma_wait3A_252 = arith.constant 0 : i32
        %dma_wait3A_253 = arith.constant 0 : i32
        %dma_wait3A_254 = arith.constant 0 : i32
        %dma_wait3A_255 = tpu.memref_slice %arg9[%scan3A_22, %dma_wait3A_252, %dma_wait3A_253, %dma_wait3A_254] : memref<2x8x24x128xf32, #tpu.memory_space<vmem>> -> memref<1x8x24x128xf32, #tpu.memory_space<vmem>>
        %dma_wait3A_256 = tpu.memref_squeeze %dma_wait3A_255 : memref<1x8x24x128xf32, #tpu.memory_space<vmem>> -> memref<8x24x128xf32, #tpu.memory_space<vmem>>
        tpu.wait_dma2 semaphore(%arg18 : memref<!tpu.dma_semaphore, #tpu.memory_space<semaphore_mem>>) src(%dma_wait3A_256 : memref<8x24x128xf32, #tpu.memory_space<vmem>>) dst(%dma_wait3A_251 : memref<8x24x128xf32, #tpu.memory_space<hbm>>)
      } else {
      }
      %parallel_loop3A_161 = arith.constant 0 : i32
      %parallel_loop3A_162 = arith.constant 8 : i32
      %parallel_loop3A_163 = arith.constant 1 : i32
      scf.for %parallel_loop3A_241 = %parallel_loop3A_161 to %parallel_loop3A_162 step %parallel_loop3A_163  : i32 {
        %parallel_loop3A_242 = arith.constant 0 : i32
        %parallel_loop3A_243 = arith.constant 0 : i32
        %parallel_loop3A_244 = arith.constant 0 : i32
        %parallel_loop3A_245 = arith.constant 0 : i32
        %parallel_loop3A_246 = tpu.memref_slice %arg8[%scan3A, %parallel_loop3A_243, %parallel_loop3A_244, %parallel_loop3A_245] : memref<2x6x8x128xf32, #tpu.memory_space<vmem>> -> memref<1x6x8x128xf32, #tpu.memory_space<vmem>>
        %parallel_loop3A_247 = tpu.memref_squeeze %parallel_loop3A_246 : memref<1x6x8x128xf32, #tpu.memory_space<vmem>> -> memref<6x8x128xf32, #tpu.memory_space<vmem>>
        %parallel_loop3A_248 = arith.index_cast %parallel_loop3A_242 : i32 to index
        %parallel_loop3A_249 = arith.index_cast %parallel_loop3A_241 : i32 to index
        %parallel_loop3A_250 = arith.constant 0 : index
        %parallel_loop3A_251 = tpu.vector_load %parallel_loop3A_247[%parallel_loop3A_248, %parallel_loop3A_249, %parallel_loop3A_250] {strides = array<i32>} : memref<6x8x128xf32, #tpu.memory_space<vmem>>, vector<16xf32>,
        %parallel_loop3A_252 = arith.constant 0 : i32
        %parallel_loop3A_253 = arith.constant 0 : i32
        %parallel_loop3A_254 = arith.constant 0 : i32
        %parallel_loop3A_255 = arith.constant 0 : i32
        %parallel_loop3A_256 = tpu.memref_slice %arg9[%scan3A_22, %parallel_loop3A_253, %parallel_loop3A_254, %parallel_loop3A_255] : memref<2x8x24x128xf32, #tpu.memory_space<vmem>> -> memref<1x8x24x128xf32, #tpu.memory_space<vmem>>
        %parallel_loop3A_257 = tpu.memref_squeeze %parallel_loop3A_256 : memref<1x8x24x128xf32, #tpu.memory_space<vmem>> -> memref<8x24x128xf32, #tpu.memory_space<vmem>>
        %parallel_loop3A_258 = arith.index_cast %parallel_loop3A_241 : i32 to index
        %parallel_loop3A_259 = arith.index_cast %parallel_loop3A_252 : i32 to index
        %parallel_loop3A_260 = arith.constant 0 : index
        %parallel_loop3A_261 = tpu.vector_load %parallel_loop3A_257[%parallel_loop3A_258, %parallel_loop3A_259, %parallel_loop3A_260] {strides = array<i32>} : memref<8x24x128xf32, #tpu.memory_space<vmem>>, vector<16xf32>,
        tpu.vector_store %parallel_loop3A_257[%parallel_loop3A_258, %parallel_loop3A_259, %parallel_loop3A_260], %parallel_loop3A_251 {strides = array<i32>} : memref<8x24x128xf32, #tpu.memory_space<vmem>>, vector<16xf32>,
        %parallel_loop3A_262 = arith.constant 0 : i32
        %parallel_loop3A_263 = arith.constant 0 : i32
        %parallel_loop3A_264 = arith.constant 0 : i32
        %parallel_loop3A_265 = arith.constant 0 : i32
        %parallel_loop3A_266 = tpu.memref_slice %arg8[%scan3A, %parallel_loop3A_263, %parallel_loop3A_264, %parallel_loop3A_265] : memref<2x6x8x128xf32, #tpu.memory_space<vmem>> -> memref<1x6x8x128xf32, #tpu.memory_space<vmem>>
        %parallel_loop3A_267 = tpu.memref_squeeze %parallel_loop3A_266 : memref<1x6x8x128xf32, #tpu.memory_space<vmem>> -> memref<6x8x128xf32, #tpu.memory_space<vmem>>
        %parallel_loop3A_268 = arith.index_cast %parallel_loop3A_262 : i32 to index
        %parallel_loop3A_269 = arith.index_cast %parallel_loop3A_241 : i32 to index
        %parallel_loop3A_270 = arith.constant 64 : index
        %parallel_loop3A_271 = tpu.vector_load %parallel_loop3A_267[%parallel_loop3A_268, %parallel_loop3A_269, %parallel_loop3A_270] {strides = array<i32>} : memref<6x8x128xf32, #tpu.memory_space<vmem>>, vector<16xf32>,
        %parallel_loop3A_272 = arith.constant 0 : i32
        %parallel_loop3A_273 = arith.constant 0 : i32
        %parallel_loop3A_274 = arith.constant 0 : i32
        %parallel_loop3A_275 = arith.constant 0 : i32
        %parallel_loop3A_276 = tpu.memref_slice %arg9[%scan3A_22, %parallel_loop3A_273, %parallel_loop3A_274, %parallel_loop3A_275] : memref<2x8x24x128xf32, #tpu.memory_space<vmem>> -> memref<1x8x24x128xf32, #tpu.memory_space<vmem>>
        %parallel_loop3A_277 = tpu.memref_squeeze %parallel_loop3A_276 : memref<1x8x24x128xf32, #tpu.memory_space<vmem>> -> memref<8x24x128xf32, #tpu.memory_space<vmem>>
        %parallel_loop3A_278 = arith.index_cast %parallel_loop3A_241 : i32 to index
        %parallel_loop3A_279 = arith.index_cast %parallel_loop3A_272 : i32 to index
        %parallel_loop3A_280 = arith.constant 64 : index
        %parallel_loop3A_281 = tpu.vector_load %parallel_loop3A_277[%parallel_loop3A_278, %parallel_loop3A_279, %parallel_loop3A_280] {strides = array<i32>} : memref<8x24x128xf32, #tpu.memory_space<vmem>>, vector<16xf32>,
        tpu.vector_store %parallel_loop3A_277[%parallel_loop3A_278, %parallel_loop3A_279, %parallel_loop3A_280], %parallel_loop3A_271 {strides = array<i32>} : memref<8x24x128xf32, #tpu.memory_space<vmem>>, vector<16xf32>,
      } {sc.loop_unroll_factor = 1 : i64, sc.parallel_access}
      %mul3A_164 = arith.constant 8 : i32
      %mul3A_165 = arith.muli %mul3A_122, %mul3A_164 : i32
      %dma_start3A_166 = arith.constant 0 : i32
      %dma_start3A_167 = arith.constant 0 : i32
      %dma_start3A_168 = arith.constant 0 : i32
      %dma_start3A_169 = tpu.memref_slice %arg9[%scan3A_22, %dma_start3A_166, %dma_start3A_167, %dma_start3A_168] : memref<2x8x24x128xf32, #tpu.memory_space<vmem>> -> memref<1x8x24x128xf32, #tpu.memory_space<vmem>>
      %dma_start3A_170 = tpu.memref_squeeze %dma_start3A_169 : memref<1x8x24x128xf32, #tpu.memory_space<vmem>> -> memref<8x24x128xf32, #tpu.memory_space<vmem>>
      %dma_start3A_171 = arith.constant 0 : i32
      %dma_start3A_172 = tpu.memref_slice %arg7[%mul3A_165, %dma_start3A_171, %mul3A_4] : memref<200x24x4096xf32, #tpu.memory_space<hbm>> -> memref<8x24x128xf32, #tpu.memory_space<hbm>>
      %dma_start3A_173 = arith.constant 0 : i32
      %dma_start3A_174 = tpu.memref_slice %arg7[%mul3A_165, %dma_start3A_173, %mul3A_4] : memref<200x24x4096xf32, #tpu.memory_space<hbm>> -> memref<8x24x128xf32, #tpu.memory_space<hbm>>
      %dma_start3A_175 = arith.constant 0 : i32
      %dma_start3A_176 = arith.constant 0 : i32
      %dma_start3A_177 = arith.constant 0 : i32
      %dma_start3A_178 = tpu.memref_slice %arg9[%scan3A_22, %dma_start3A_175, %dma_start3A_176, %dma_start3A_177] : memref<2x8x24x128xf32, #tpu.memory_space<vmem>> -> memref<1x8x24x128xf32, #tpu.memory_space<vmem>>
      %dma_start3A_179 = tpu.memref_squeeze %dma_start3A_178 : memref<1x8x24x128xf32, #tpu.memory_space<vmem>> -> memref<8x24x128xf32, #tpu.memory_space<vmem>>
      tpu.enqueue_dma source(%dma_start3A_179 : memref<8x24x128xf32, #tpu.memory_space<vmem>>) target(%dma_start3A_174 : memref<8x24x128xf32, #tpu.memory_space<hbm>>) target_semaphore(%arg18 : memref<!tpu.dma_semaphore, #tpu.memory_space<semaphore_mem>>)
      %dma_wait3A_180 = arith.constant 0 : i32
      %dma_wait3A_181 = arith.constant 0 : i32
      %dma_wait3A_182 = arith.constant 0 : i32
      %dma_wait3A_183 = tpu.memref_slice %arg8[%scan3A_21, %dma_wait3A_180, %dma_wait3A_181, %dma_wait3A_182] : memref<2x6x8x128xf32, #tpu.memory_space<vmem>> -> memref<1x6x8x128xf32, #tpu.memory_space<vmem>>
      %dma_wait3A_184 = tpu.memref_squeeze %dma_wait3A_183 : memref<1x6x8x128xf32, #tpu.memory_space<vmem>> -> memref<6x8x128xf32, #tpu.memory_space<vmem>>
      %dma_wait3A_185 = arith.constant 0 : i32
      %dma_wait3A_186 = arith.constant 0 : i32
      %dma_wait3A_187 = tpu.memref_slice %arg2[%dma_wait3A_185, %dma_wait3A_186, %mul3A_4] : memref<7x200x4096xf32, #tpu.memory_space<hbm>> -> memref<6x8x128xf32, #tpu.memory_space<hbm>>
      %dma_wait3A_188 = arith.constant 0 : i32
      %dma_wait3A_189 = arith.constant 0 : i32
      %dma_wait3A_190 = arith.constant 0 : i32
      %dma_wait3A_191 = tpu.memref_slice %arg8[%scan3A_21, %dma_wait3A_188, %dma_wait3A_189, %dma_wait3A_190] : memref<2x6x8x128xf32, #tpu.memory_space<vmem>> -> memref<1x6x8x128xf32, #tpu.memory_space<vmem>>
      %dma_wait3A_192 = tpu.memref_squeeze %dma_wait3A_191 : memref<1x6x8x128xf32, #tpu.memory_space<vmem>> -> memref<6x8x128xf32, #tpu.memory_space<vmem>>
      %dma_wait3A_193 = arith.constant 0 : i32
      %dma_wait3A_194 = arith.constant 0 : i32
      %dma_wait3A_195 = tpu.memref_slice %arg2[%dma_wait3A_193, %dma_wait3A_194, %mul3A_4] : memref<7x200x4096xf32, #tpu.memory_space<hbm>> -> memref<6x8x128xf32, #tpu.memory_space<hbm>>
      tpu.wait_dma2 semaphore(%arg17 : memref<!tpu.dma_semaphore, #tpu.memory_space<semaphore_mem>>) src(%dma_wait3A_195 : memref<6x8x128xf32, #tpu.memory_space<hbm>>) dst(%dma_wait3A_192 : memref<6x8x128xf32, #tpu.memory_space<vmem>>)
      %add3A_196 = arith.constant 2 : i32
      %add3A_197 = arith.addi %mul3A_122, %add3A_196 : i32
      %mul3A_198 = arith.constant 8 : i32
      %mul3A_199 = arith.muli %add3A_197, %mul3A_198 : i32
      %dma_start3A_200 = arith.constant 0 : i32
      %dma_start3A_201 = arith.constant 0 : i32
      %dma_start3A_202 = arith.constant 0 : i32
      %dma_start3A_203 = tpu.memref_slice %arg8[%scan3A, %dma_start3A_200, %dma_start3A_201, %dma_start3A_202] : memref<2x6x8x128xf32, #tpu.memory_space<vmem>> -> memref<1x6x8x128xf32, #tpu.memory_space<vmem>>
      %dma_start3A_204 = tpu.memref_squeeze %dma_start3A_203 : memref<1x6x8x128xf32, #tpu.memory_space<vmem>> -> memref<6x8x128xf32, #tpu.memory_space<vmem>>
      %dma_start3A_205 = arith.constant 0 : i32
      %dma_start3A_206 = tpu.memref_slice %arg2[%dma_start3A_205, %mul3A_199, %mul3A_4] : memref<7x200x4096xf32, #tpu.memory_space<hbm>> -> memref<6x8x128xf32, #tpu.memory_space<hbm>>
      %dma_start3A_207 = arith.constant 0 : i32
      %dma_start3A_208 = arith.constant 0 : i32
      %dma_start3A_209 = arith.constant 0 : i32
      %dma_start3A_210 = tpu.memref_slice %arg8[%scan3A, %dma_start3A_207, %dma_start3A_208, %dma_start3A_209] : memref<2x6x8x128xf32, #tpu.memory_space<vmem>> -> memref<1x6x8x128xf32, #tpu.memory_space<vmem>>
      %dma_start3A_211 = tpu.memref_squeeze %dma_start3A_210 : memref<1x6x8x128xf32, #tpu.memory_space<vmem>> -> memref<6x8x128xf32, #tpu.memory_space<vmem>>
      %dma_start3A_212 = arith.constant 0 : i32
      %dma_start3A_213 = tpu.memref_slice %arg2[%dma_start3A_212, %mul3A_199, %mul3A_4] : memref<7x200x4096xf32, #tpu.memory_space<hbm>> -> memref<6x8x128xf32, #tpu.memory_space<hbm>>
      tpu.enqueue_dma source(%dma_start3A_213 : memref<6x8x128xf32, #tpu.memory_space<hbm>>) target(%dma_start3A_211 : memref<6x8x128xf32, #tpu.memory_space<vmem>>) target_semaphore(%arg16 : memref<!tpu.dma_semaphore, #tpu.memory_space<semaphore_mem>>)
      %gt3A_214 = arith.constant 0 : i32
      %gt3A_215 = arith.cmpi sgt, %scan3A_119, %gt3A_214 : i32
      %convert_element_type3A_216 = arith.extui %gt3A_215 : i1 to i32
      %cond3A_217 = arith.constant 0 : i32
      %cond3A_218 = arith.cmpi ne, %convert_element_type3A_216, %cond3A_217 : i32
      scf.if %cond3A_218 {
        %dma_wait3A_241 = arith.constant 0 : i32
        %dma_wait3A_242 = arith.constant 0 : i32
        %dma_wait3A_243 = arith.constant 0 : i32
        %dma_wait3A_244 = tpu.memref_slice %arg9[%scan3A_23, %dma_wait3A_241, %dma_wait3A_242, %dma_wait3A_243] : memref<2x8x24x128xf32, #tpu.memory_space<vmem>> -> memref<1x8x24x128xf32, #tpu.memory_space<vmem>>
        %dma_wait3A_245 = tpu.memref_squeeze %dma_wait3A_244 : memref<1x8x24x128xf32, #tpu.memory_space<vmem>> -> memref<8x24x128xf32, #tpu.memory_space<vmem>>
        %dma_wait3A_246 = arith.constant 0 : i32
        %dma_wait3A_247 = arith.constant 0 : i32
        %dma_wait3A_248 = tpu.memref_slice %arg7[%dma_wait3A_246, %dma_wait3A_247, %mul3A_4] : memref<200x24x4096xf32, #tpu.memory_space<hbm>> -> memref<8x24x128xf32, #tpu.memory_space<hbm>>
        %dma_wait3A_249 = arith.constant 0 : i32
        %dma_wait3A_250 = arith.constant 0 : i32
        %dma_wait3A_251 = tpu.memref_slice %arg7[%dma_wait3A_249, %dma_wait3A_250, %mul3A_4] : memref<200x24x4096xf32, #tpu.memory_space<hbm>> -> memref<8x24x128xf32, #tpu.memory_space<hbm>>
        %dma_wait3A_252 = arith.constant 0 : i32
        %dma_wait3A_253 = arith.constant 0 : i32
        %dma_wait3A_254 = arith.constant 0 : i32
        %dma_wait3A_255 = tpu.memref_slice %arg9[%scan3A_23, %dma_wait3A_252, %dma_wait3A_253, %dma_wait3A_254] : memref<2x8x24x128xf32, #tpu.memory_space<vmem>> -> memref<1x8x24x128xf32, #tpu.memory_space<vmem>>
        %dma_wait3A_256 = tpu.memref_squeeze %dma_wait3A_255 : memref<1x8x24x128xf32, #tpu.memory_space<vmem>> -> memref<8x24x128xf32, #tpu.memory_space<vmem>>
        tpu.wait_dma2 semaphore(%arg19 : memref<!tpu.dma_semaphore, #tpu.memory_space<semaphore_mem>>) src(%dma_wait3A_256 : memref<8x24x128xf32, #tpu.memory_space<vmem>>) dst(%dma_wait3A_251 : memref<8x24x128xf32, #tpu.memory_space<hbm>>)
      } else {
      }
      %parallel_loop3A_219 = arith.constant 0 : i32
      %parallel_loop3A_220 = arith.constant 8 : i32
      %parallel_loop3A_221 = arith.constant 1 : i32
      scf.for %parallel_loop3A_241 = %parallel_loop3A_219 to %parallel_loop3A_220 step %parallel_loop3A_221  : i32 {
        %parallel_loop3A_242 = arith.constant 0 : i32
        %parallel_loop3A_243 = arith.constant 0 : i32
        %parallel_loop3A_244 = arith.constant 0 : i32
        %parallel_loop3A_245 = arith.constant 0 : i32
        %parallel_loop3A_246 = tpu.memref_slice %arg8[%scan3A_21, %parallel_loop3A_243, %parallel_loop3A_244, %parallel_loop3A_245] : memref<2x6x8x128xf32, #tpu.memory_space<vmem>> -> memref<1x6x8x128xf32, #tpu.memory_space<vmem>>
        %parallel_loop3A_247 = tpu.memref_squeeze %parallel_loop3A_246 : memref<1x6x8x128xf32, #tpu.memory_space<vmem>> -> memref<6x8x128xf32, #tpu.memory_space<vmem>>
        %parallel_loop3A_248 = arith.index_cast %parallel_loop3A_242 : i32 to index
        %parallel_loop3A_249 = arith.index_cast %parallel_loop3A_241 : i32 to index
        %parallel_loop3A_250 = arith.constant 0 : index
        %parallel_loop3A_251 = tpu.vector_load %parallel_loop3A_247[%parallel_loop3A_248, %parallel_loop3A_249, %parallel_loop3A_250] {strides = array<i32>} : memref<6x8x128xf32, #tpu.memory_space<vmem>>, vector<16xf32>,
        %parallel_loop3A_252 = arith.constant 0 : i32
        %parallel_loop3A_253 = arith.constant 0 : i32
        %parallel_loop3A_254 = arith.constant 0 : i32
        %parallel_loop3A_255 = arith.constant 0 : i32
        %parallel_loop3A_256 = tpu.memref_slice %arg9[%scan3A_23, %parallel_loop3A_253, %parallel_loop3A_254, %parallel_loop3A_255] : memref<2x8x24x128xf32, #tpu.memory_space<vmem>> -> memref<1x8x24x128xf32, #tpu.memory_space<vmem>>
        %parallel_loop3A_257 = tpu.memref_squeeze %parallel_loop3A_256 : memref<1x8x24x128xf32, #tpu.memory_space<vmem>> -> memref<8x24x128xf32, #tpu.memory_space<vmem>>
        %parallel_loop3A_258 = arith.index_cast %parallel_loop3A_241 : i32 to index
        %parallel_loop3A_259 = arith.index_cast %parallel_loop3A_252 : i32 to index
        %parallel_loop3A_260 = arith.constant 0 : index
        %parallel_loop3A_261 = tpu.vector_load %parallel_loop3A_257[%parallel_loop3A_258, %parallel_loop3A_259, %parallel_loop3A_260] {strides = array<i32>} : memref<8x24x128xf32, #tpu.memory_space<vmem>>, vector<16xf32>,
        tpu.vector_store %parallel_loop3A_257[%parallel_loop3A_258, %parallel_loop3A_259, %parallel_loop3A_260], %parallel_loop3A_251 {strides = array<i32>} : memref<8x24x128xf32, #tpu.memory_space<vmem>>, vector<16xf32>,
        %parallel_loop3A_262 = arith.constant 0 : i32
        %parallel_loop3A_263 = arith.constant 0 : i32
        %parallel_loop3A_264 = arith.constant 0 : i32
        %parallel_loop3A_265 = arith.constant 0 : i32
        %parallel_loop3A_266 = tpu.memref_slice %arg8[%scan3A_21, %parallel_loop3A_263, %parallel_loop3A_264, %parallel_loop3A_265] : memref<2x6x8x128xf32, #tpu.memory_space<vmem>> -> memref<1x6x8x128xf32, #tpu.memory_space<vmem>>
        %parallel_loop3A_267 = tpu.memref_squeeze %parallel_loop3A_266 : memref<1x6x8x128xf32, #tpu.memory_space<vmem>> -> memref<6x8x128xf32, #tpu.memory_space<vmem>>
        %parallel_loop3A_268 = arith.index_cast %parallel_loop3A_262 : i32 to index
        %parallel_loop3A_269 = arith.index_cast %parallel_loop3A_241 : i32 to index
        %parallel_loop3A_270 = arith.constant 64 : index
        %parallel_loop3A_271 = tpu.vector_load %parallel_loop3A_267[%parallel_loop3A_268, %parallel_loop3A_269, %parallel_loop3A_270] {strides = array<i32>} : memref<6x8x128xf32, #tpu.memory_space<vmem>>, vector<16xf32>,
        %parallel_loop3A_272 = arith.constant 0 : i32
        %parallel_loop3A_273 = arith.constant 0 : i32
        %parallel_loop3A_274 = arith.constant 0 : i32
        %parallel_loop3A_275 = arith.constant 0 : i32
        %parallel_loop3A_276 = tpu.memref_slice %arg9[%scan3A_23, %parallel_loop3A_273, %parallel_loop3A_274, %parallel_loop3A_275] : memref<2x8x24x128xf32, #tpu.memory_space<vmem>> -> memref<1x8x24x128xf32, #tpu.memory_space<vmem>>
        %parallel_loop3A_277 = tpu.memref_squeeze %parallel_loop3A_276 : memref<1x8x24x128xf32, #tpu.memory_space<vmem>> -> memref<8x24x128xf32, #tpu.memory_space<vmem>>
        %parallel_loop3A_278 = arith.index_cast %parallel_loop3A_241 : i32 to index
        %parallel_loop3A_279 = arith.index_cast %parallel_loop3A_272 : i32 to index
        %parallel_loop3A_280 = arith.constant 64 : index
        %parallel_loop3A_281 = tpu.vector_load %parallel_loop3A_277[%parallel_loop3A_278, %parallel_loop3A_279, %parallel_loop3A_280] {strides = array<i32>} : memref<8x24x128xf32, #tpu.memory_space<vmem>>, vector<16xf32>,
        tpu.vector_store %parallel_loop3A_277[%parallel_loop3A_278, %parallel_loop3A_279, %parallel_loop3A_280], %parallel_loop3A_271 {strides = array<i32>} : memref<8x24x128xf32, #tpu.memory_space<vmem>>, vector<16xf32>,
      } {sc.loop_unroll_factor = 1 : i64, sc.parallel_access}
      %add3A_222 = arith.constant 1 : i32
      %add3A_223 = arith.addi %mul3A_122, %add3A_222 : i32
      %mul3A_224 = arith.constant 8 : i32
      %mul3A_225 = arith.muli %add3A_223, %mul3A_224 : i32
      %dma_start3A_226 = arith.constant 0 : i32
      %dma_start3A_227 = arith.constant 0 : i32
      %dma_start3A_228 = arith.constant 0 : i32
      %dma_start3A_229 = tpu.memref_slice %arg9[%scan3A_23, %dma_start3A_226, %dma_start3A_227, %dma_start3A_228] : memref<2x8x24x128xf32, #tpu.memory_space<vmem>> -> memref<1x8x24x128xf32, #tpu.memory_space<vmem>>
      %dma_start3A_230 = tpu.memref_squeeze %dma_start3A_229 : memref<1x8x24x128xf32, #tpu.memory_space<vmem>> -> memref<8x24x128xf32, #tpu.memory_space<vmem>>
      %dma_start3A_231 = arith.constant 0 : i32
      %dma_start3A_232 = tpu.memref_slice %arg7[%mul3A_225, %dma_start3A_231, %mul3A_4] : memref<200x24x4096xf32, #tpu.memory_space<hbm>> -> memref<8x24x128xf32, #tpu.memory_space<hbm>>
      %dma_start3A_233 = arith.constant 0 : i32
      %dma_start3A_234 = tpu.memref_slice %arg7[%mul3A_225, %dma_start3A_233, %mul3A_4] : memref<200x24x4096xf32, #tpu.memory_space<hbm>> -> memref<8x24x128xf32, #tpu.memory_space<hbm>>
      %dma_start3A_235 = arith.constant 0 : i32
      %dma_start3A_236 = arith.constant 0 : i32
      %dma_start3A_237 = arith.constant 0 : i32
      %dma_start3A_238 = tpu.memref_slice %arg9[%scan3A_23, %dma_start3A_235, %dma_start3A_236, %dma_start3A_237] : memref<2x8x24x128xf32, #tpu.memory_space<vmem>> -> memref<1x8x24x128xf32, #tpu.memory_space<vmem>>
      %dma_start3A_239 = tpu.memref_squeeze %dma_start3A_238 : memref<1x8x24x128xf32, #tpu.memory_space<vmem>> -> memref<8x24x128xf32, #tpu.memory_space<vmem>>
      tpu.enqueue_dma source(%dma_start3A_239 : memref<8x24x128xf32, #tpu.memory_space<vmem>>) target(%dma_start3A_234 : memref<8x24x128xf32, #tpu.memory_space<hbm>>) target_semaphore(%arg19 : memref<!tpu.dma_semaphore, #tpu.memory_space<semaphore_mem>>)
      %scan3A_240 = arith.constant 0 : i32
      scf.yield %scan3A_240 : i32
    }
    %scan3A_30 = arith.constant 12 : i32
    %dma_wait3A = arith.constant 0 : i32
    %dma_wait3A_31 = arith.constant 0 : i32
    %dma_wait3A_32 = arith.constant 0 : i32
    %dma_wait3A_33 = arith.constant 0 : i32
    %dma_wait3A_34 = tpu.memref_slice %arg8[%dma_wait3A, %dma_wait3A_31, %dma_wait3A_32, %dma_wait3A_33] : memref<2x6x8x128xf32, #tpu.memory_space<vmem>> -> memref<1x6x8x128xf32, #tpu.memory_space<vmem>>
    %dma_wait3A_35 = tpu.memref_squeeze %dma_wait3A_34 : memref<1x6x8x128xf32, #tpu.memory_space<vmem>> -> memref<6x8x128xf32, #tpu.memory_space<vmem>>
    %dma_wait3A_36 = arith.constant 0 : i32
    %dma_wait3A_37 = arith.constant 0 : i32
    %dma_wait3A_38 = tpu.memref_slice %arg2[%dma_wait3A_36, %dma_wait3A_37, %mul3A_4] : memref<7x200x4096xf32, #tpu.memory_space<hbm>> -> memref<6x8x128xf32, #tpu.memory_space<hbm>>
    %dma_wait3A_39 = arith.constant 0 : i32
    %dma_wait3A_40 = arith.constant 0 : i32
    %dma_wait3A_41 = arith.constant 0 : i32
    %dma_wait3A_42 = tpu.memref_slice %arg8[%dma_wait3A, %dma_wait3A_39, %dma_wait3A_40, %dma_wait3A_41] : memref<2x6x8x128xf32, #tpu.memory_space<vmem>> -> memref<1x6x8x128xf32, #tpu.memory_space<vmem>>
    %dma_wait3A_43 = tpu.memref_squeeze %dma_wait3A_42 : memref<1x6x8x128xf32, #tpu.memory_space<vmem>> -> memref<6x8x128xf32, #tpu.memory_space<vmem>>
    %dma_wait3A_44 = arith.constant 0 : i32
    %dma_wait3A_45 = arith.constant 0 : i32
    %dma_wait3A_46 = tpu.memref_slice %arg2[%dma_wait3A_44, %dma_wait3A_45, %mul3A_4] : memref<7x200x4096xf32, #tpu.memory_space<hbm>> -> memref<6x8x128xf32, #tpu.memory_space<hbm>>
    tpu.wait_dma2 semaphore(%arg16 : memref<!tpu.dma_semaphore, #tpu.memory_space<semaphore_mem>>) src(%dma_wait3A_46 : memref<6x8x128xf32, #tpu.memory_space<hbm>>) dst(%dma_wait3A_43 : memref<6x8x128xf32, #tpu.memory_space<vmem>>)
    %dma_wait3A_47 = arith.constant 0 : i32
    %dma_wait3A_48 = arith.constant 0 : i32
    %dma_wait3A_49 = arith.constant 0 : i32
    %dma_wait3A_50 = arith.constant 0 : i32
    %dma_wait3A_51 = tpu.memref_slice %arg9[%dma_wait3A_47, %dma_wait3A_48, %dma_wait3A_49, %dma_wait3A_50] : memref<2x8x24x128xf32, #tpu.memory_space<vmem>> -> memref<1x8x24x128xf32, #tpu.memory_space<vmem>>
    %dma_wait3A_52 = tpu.memref_squeeze %dma_wait3A_51 : memref<1x8x24x128xf32, #tpu.memory_space<vmem>> -> memref<8x24x128xf32, #tpu.memory_space<vmem>>
    %dma_wait3A_53 = arith.constant 0 : i32
    %dma_wait3A_54 = arith.constant 0 : i32
    %dma_wait3A_55 = tpu.memref_slice %arg7[%dma_wait3A_53, %dma_wait3A_54, %mul3A_4] : memref<200x24x4096xf32, #tpu.memory_space<hbm>> -> memref<8x24x128xf32, #tpu.memory_space<hbm>>
    %dma_wait3A_56 = arith.constant 0 : i32
    %dma_wait3A_57 = arith.constant 0 : i32
    %dma_wait3A_58 = tpu.memref_slice %arg7[%dma_wait3A_56, %dma_wait3A_57, %mul3A_4] : memref<200x24x4096xf32, #tpu.memory_space<hbm>> -> memref<8x24x128xf32, #tpu.memory_space<hbm>>
    %dma_wait3A_59 = arith.constant 0 : i32
    %dma_wait3A_60 = arith.constant 0 : i32
    %dma_wait3A_61 = arith.constant 0 : i32
    %dma_wait3A_62 = tpu.memref_slice %arg9[%dma_wait3A_47, %dma_wait3A_59, %dma_wait3A_60, %dma_wait3A_61] : memref<2x8x24x128xf32, #tpu.memory_space<vmem>> -> memref<1x8x24x128xf32, #tpu.memory_space<vmem>>
    %dma_wait3A_63 = tpu.memref_squeeze %dma_wait3A_62 : memref<1x8x24x128xf32, #tpu.memory_space<vmem>> -> memref<8x24x128xf32, #tpu.memory_space<vmem>>
    tpu.wait_dma2 semaphore(%arg18 : memref<!tpu.dma_semaphore, #tpu.memory_space<semaphore_mem>>) src(%dma_wait3A_63 : memref<8x24x128xf32, #tpu.memory_space<vmem>>) dst(%dma_wait3A_58 : memref<8x24x128xf32, #tpu.memory_space<hbm>>)
    %parallel_loop3A = arith.constant 0 : i32
    %parallel_loop3A_64 = arith.constant 8 : i32
    %parallel_loop3A_65 = arith.constant 1 : i32
    %parallel_loop3A_66 = arith.constant 0 : i32
    %parallel_loop3A_67 = arith.constant 0 : i32
    scf.for %parallel_loop3A_119 = %parallel_loop3A to %parallel_loop3A_64 step %parallel_loop3A_65  : i32 {
      %parallel_loop3A_120 = arith.constant 0 : i32
      %parallel_loop3A_121 = arith.constant 0 : i32
      %parallel_loop3A_122 = arith.constant 0 : i32
      %parallel_loop3A_123 = arith.constant 0 : i32
      %parallel_loop3A_124 = tpu.memref_slice %arg8[%parallel_loop3A_66, %parallel_loop3A_121, %parallel_loop3A_122, %parallel_loop3A_123] : memref<2x6x8x128xf32, #tpu.memory_space<vmem>> -> memref<1x6x8x128xf32, #tpu.memory_space<vmem>>
      %parallel_loop3A_125 = tpu.memref_squeeze %parallel_loop3A_124 : memref<1x6x8x128xf32, #tpu.memory_space<vmem>> -> memref<6x8x128xf32, #tpu.memory_space<vmem>>
      %parallel_loop3A_126 = arith.index_cast %parallel_loop3A_120 : i32 to index
      %parallel_loop3A_127 = arith.index_cast %parallel_loop3A_119 : i32 to index
      %parallel_loop3A_128 = arith.constant 0 : index
      %parallel_loop3A_129 = tpu.vector_load %parallel_loop3A_125[%parallel_loop3A_126, %parallel_loop3A_127, %parallel_loop3A_128] {strides = array<i32>} : memref<6x8x128xf32, #tpu.memory_space<vmem>>, vector<16xf32>,
      %parallel_loop3A_130 = arith.constant 0 : i32
      %parallel_loop3A_131 = arith.constant 0 : i32
      %parallel_loop3A_132 = arith.constant 0 : i32
      %parallel_loop3A_133 = arith.constant 0 : i32
      %parallel_loop3A_134 = tpu.memref_slice %arg9[%parallel_loop3A_67, %parallel_loop3A_131, %parallel_loop3A_132, %parallel_loop3A_133] : memref<2x8x24x128xf32, #tpu.memory_space<vmem>> -> memref<1x8x24x128xf32, #tpu.memory_space<vmem>>
      %parallel_loop3A_135 = tpu.memref_squeeze %parallel_loop3A_134 : memref<1x8x24x128xf32, #tpu.memory_space<vmem>> -> memref<8x24x128xf32, #tpu.memory_space<vmem>>
      %parallel_loop3A_136 = arith.index_cast %parallel_loop3A_119 : i32 to index
      %parallel_loop3A_137 = arith.index_cast %parallel_loop3A_130 : i32 to index
      %parallel_loop3A_138 = arith.constant 0 : index
      %parallel_loop3A_139 = tpu.vector_load %parallel_loop3A_135[%parallel_loop3A_136, %parallel_loop3A_137, %parallel_loop3A_138] {strides = array<i32>} : memref<8x24x128xf32, #tpu.memory_space<vmem>>, vector<16xf32>,
      tpu.vector_store %parallel_loop3A_135[%parallel_loop3A_136, %parallel_loop3A_137, %parallel_loop3A_138], %parallel_loop3A_129 {strides = array<i32>} : memref<8x24x128xf32, #tpu.memory_space<vmem>>, vector<16xf32>,
      %parallel_loop3A_140 = arith.constant 0 : i32
      %parallel_loop3A_141 = arith.constant 0 : i32
      %parallel_loop3A_142 = arith.constant 0 : i32
      %parallel_loop3A_143 = arith.constant 0 : i32
      %parallel_loop3A_144 = tpu.memref_slice %arg8[%parallel_loop3A_66, %parallel_loop3A_141, %parallel_loop3A_142, %parallel_loop3A_143] : memref<2x6x8x128xf32, #tpu.memory_space<vmem>> -> memref<1x6x8x128xf32, #tpu.memory_space<vmem>>
      %parallel_loop3A_145 = tpu.memref_squeeze %parallel_loop3A_144 : memref<1x6x8x128xf32, #tpu.memory_space<vmem>> -> memref<6x8x128xf32, #tpu.memory_space<vmem>>
      %parallel_loop3A_146 = arith.index_cast %parallel_loop3A_140 : i32 to index
      %parallel_loop3A_147 = arith.index_cast %parallel_loop3A_119 : i32 to index
      %parallel_loop3A_148 = arith.constant 64 : index
      %parallel_loop3A_149 = tpu.vector_load %parallel_loop3A_145[%parallel_loop3A_146, %parallel_loop3A_147, %parallel_loop3A_148] {strides = array<i32>} : memref<6x8x128xf32, #tpu.memory_space<vmem>>, vector<16xf32>,
      %parallel_loop3A_150 = arith.constant 0 : i32
      %parallel_loop3A_151 = arith.constant 0 : i32
      %parallel_loop3A_152 = arith.constant 0 : i32
      %parallel_loop3A_153 = arith.constant 0 : i32
      %parallel_loop3A_154 = tpu.memref_slice %arg9[%parallel_loop3A_67, %parallel_loop3A_151, %parallel_loop3A_152, %parallel_loop3A_153] : memref<2x8x24x128xf32, #tpu.memory_space<vmem>> -> memref<1x8x24x128xf32, #tpu.memory_space<vmem>>
      %parallel_loop3A_155 = tpu.memref_squeeze %parallel_loop3A_154 : memref<1x8x24x128xf32, #tpu.memory_space<vmem>> -> memref<8x24x128xf32, #tpu.memory_space<vmem>>
      %parallel_loop3A_156 = arith.index_cast %parallel_loop3A_119 : i32 to index
      %parallel_loop3A_157 = arith.index_cast %parallel_loop3A_150 : i32 to index
      %parallel_loop3A_158 = arith.constant 64 : index
      %parallel_loop3A_159 = tpu.vector_load %parallel_loop3A_155[%parallel_loop3A_156, %parallel_loop3A_157, %parallel_loop3A_158] {strides = array<i32>} : memref<8x24x128xf32, #tpu.memory_space<vmem>>, vector<16xf32>,
      tpu.vector_store %parallel_loop3A_155[%parallel_loop3A_156, %parallel_loop3A_157, %parallel_loop3A_158], %parallel_loop3A_149 {strides = array<i32>} : memref<8x24x128xf32, #tpu.memory_space<vmem>>, vector<16xf32>,
    } {sc.loop_unroll_factor = 1 : i64, sc.parallel_access}
    %dma_start3A_68 = arith.constant 0 : i32
    %dma_start3A_69 = arith.constant 0 : i32
    %dma_start3A_70 = arith.constant 0 : i32
    %dma_start3A_71 = arith.constant 0 : i32
    %dma_start3A_72 = tpu.memref_slice %arg9[%dma_start3A_68, %dma_start3A_69, %dma_start3A_70, %dma_start3A_71] : memref<2x8x24x128xf32, #tpu.memory_space<vmem>> -> memref<1x8x24x128xf32, #tpu.memory_space<vmem>>
    %dma_start3A_73 = tpu.memref_squeeze %dma_start3A_72 : memref<1x8x24x128xf32, #tpu.memory_space<vmem>> -> memref<8x24x128xf32, #tpu.memory_space<vmem>>
    %dma_start3A_74 = arith.constant 192 : i32
    %dma_start3A_75 = arith.constant 0 : i32
    %dma_start3A_76 = tpu.memref_slice %arg7[%dma_start3A_74, %dma_start3A_75, %mul3A_4] : memref<200x24x4096xf32, #tpu.memory_space<hbm>> -> memref<8x24x128xf32, #tpu.memory_space<hbm>>
    %dma_start3A_77 = arith.constant 192 : i32
    %dma_start3A_78 = arith.constant 0 : i32
    %dma_start3A_79 = tpu.memref_slice %arg7[%dma_start3A_77, %dma_start3A_78, %mul3A_4] : memref<200x24x4096xf32, #tpu.memory_space<hbm>> -> memref<8x24x128xf32, #tpu.memory_space<hbm>>
    %dma_start3A_80 = arith.constant 0 : i32
    %dma_start3A_81 = arith.constant 0 : i32
    %dma_start3A_82 = arith.constant 0 : i32
    %dma_start3A_83 = tpu.memref_slice %arg9[%dma_start3A_68, %dma_start3A_80, %dma_start3A_81, %dma_start3A_82] : memref<2x8x24x128xf32, #tpu.memory_space<vmem>> -> memref<1x8x24x128xf32, #tpu.memory_space<vmem>>
    %dma_start3A_84 = tpu.memref_squeeze %dma_start3A_83 : memref<1x8x24x128xf32, #tpu.memory_space<vmem>> -> memref<8x24x128xf32, #tpu.memory_space<vmem>>
    tpu.enqueue_dma source(%dma_start3A_84 : memref<8x24x128xf32, #tpu.memory_space<vmem>>) target(%dma_start3A_79 : memref<8x24x128xf32, #tpu.memory_space<hbm>>) target_semaphore(%arg18 : memref<!tpu.dma_semaphore, #tpu.memory_space<semaphore_mem>>)
    %dma_wait3A_85 = arith.constant 0 : i32
    %dma_wait3A_86 = arith.constant 0 : i32
    %dma_wait3A_87 = arith.constant 0 : i32
    %dma_wait3A_88 = arith.constant 0 : i32
    %dma_wait3A_89 = tpu.memref_slice %arg9[%dma_wait3A_85, %dma_wait3A_86, %dma_wait3A_87, %dma_wait3A_88] : memref<2x8x24x128xf32, #tpu.memory_space<vmem>> -> memref<1x8x24x128xf32, #tpu.memory_space<vmem>>
    %dma_wait3A_90 = tpu.memref_squeeze %dma_wait3A_89 : memref<1x8x24x128xf32, #tpu.memory_space<vmem>> -> memref<8x24x128xf32, #tpu.memory_space<vmem>>
    %dma_wait3A_91 = arith.constant 0 : i32
    %dma_wait3A_92 = arith.constant 0 : i32
    %dma_wait3A_93 = tpu.memref_slice %arg7[%dma_wait3A_91, %dma_wait3A_92, %mul3A_4] : memref<200x24x4096xf32, #tpu.memory_space<hbm>> -> memref<8x24x128xf32, #tpu.memory_space<hbm>>
    %dma_wait3A_94 = arith.constant 0 : i32
    %dma_wait3A_95 = arith.constant 0 : i32
    %dma_wait3A_96 = tpu.memref_slice %arg7[%dma_wait3A_94, %dma_wait3A_95, %mul3A_4] : memref<200x24x4096xf32, #tpu.memory_space<hbm>> -> memref<8x24x128xf32, #tpu.memory_space<hbm>>
    %dma_wait3A_97 = arith.constant 0 : i32
    %dma_wait3A_98 = arith.constant 0 : i32
    %dma_wait3A_99 = arith.constant 0 : i32
    %dma_wait3A_100 = tpu.memref_slice %arg9[%dma_wait3A_85, %dma_wait3A_97, %dma_wait3A_98, %dma_wait3A_99] : memref<2x8x24x128xf32, #tpu.memory_space<vmem>> -> memref<1x8x24x128xf32, #tpu.memory_space<vmem>>
    %dma_wait3A_101 = tpu.memref_squeeze %dma_wait3A_100 : memref<1x8x24x128xf32, #tpu.memory_space<vmem>> -> memref<8x24x128xf32, #tpu.memory_space<vmem>>
    tpu.wait_dma2 semaphore(%arg18 : memref<!tpu.dma_semaphore, #tpu.memory_space<semaphore_mem>>) src(%dma_wait3A_101 : memref<8x24x128xf32, #tpu.memory_space<vmem>>) dst(%dma_wait3A_96 : memref<8x24x128xf32, #tpu.memory_space<hbm>>)
    %dma_wait3A_102 = arith.constant 1 : i32
    %dma_wait3A_103 = arith.constant 0 : i32
    %dma_wait3A_104 = arith.constant 0 : i32
    %dma_wait3A_105 = arith.constant 0 : i32
    %dma_wait3A_106 = tpu.memref_slice %arg9[%dma_wait3A_102, %dma_wait3A_103, %dma_wait3A_104, %dma_wait3A_105] : memref<2x8x24x128xf32, #tpu.memory_space<vmem>> -> memref<1x8x24x128xf32, #tpu.memory_space<vmem>>
    %dma_wait3A_107 = tpu.memref_squeeze %dma_wait3A_106 : memref<1x8x24x128xf32, #tpu.memory_space<vmem>> -> memref<8x24x128xf32, #tpu.memory_space<vmem>>
    %dma_wait3A_108 = arith.constant 0 : i32
    %dma_wait3A_109 = arith.constant 0 : i32
    %dma_wait3A_110 = tpu.memref_slice %arg7[%dma_wait3A_108, %dma_wait3A_109, %mul3A_4] : memref<200x24x4096xf32, #tpu.memory_space<hbm>> -> memref<8x24x128xf32, #tpu.memory_space<hbm>>
    %dma_wait3A_111 = arith.constant 0 : i32
    %dma_wait3A_112 = arith.constant 0 : i32
    %dma_wait3A_113 = tpu.memref_slice %arg7[%dma_wait3A_111, %dma_wait3A_112, %mul3A_4] : memref<200x24x4096xf32, #tpu.memory_space<hbm>> -> memref<8x24x128xf32, #tpu.memory_space<hbm>>
    %dma_wait3A_114 = arith.constant 0 : i32
    %dma_wait3A_115 = arith.constant 0 : i32
    %dma_wait3A_116 = arith.constant 0 : i32
    %dma_wait3A_117 = tpu.memref_slice %arg9[%dma_wait3A_102, %dma_wait3A_114, %dma_wait3A_115, %dma_wait3A_116] : memref<2x8x24x128xf32, #tpu.memory_space<vmem>> -> memref<1x8x24x128xf32, #tpu.memory_space<vmem>>
    %dma_wait3A_118 = tpu.memref_squeeze %dma_wait3A_117 : memref<1x8x24x128xf32, #tpu.memory_space<vmem>> -> memref<8x24x128xf32, #tpu.memory_space<vmem>>
    tpu.wait_dma2 semaphore(%arg19 : memref<!tpu.dma_semaphore, #tpu.memory_space<semaphore_mem>>) src(%dma_wait3A_118 : memref<8x24x128xf32, #tpu.memory_space<vmem>>) dst(%dma_wait3A_113 : memref<8x24x128xf32, #tpu.memory_space<hbm>>)
    return
  }
}

</mosaic_0001>

<sc_bundles>
// kernel: kernel.3.cloned.1.call-start
scs
__scs_entry_jumppad:
0x0: {  	(pc) =	sbr.rel $0x88, $3  }
0x1: {  	(tag) =	ssettag $0x0;
	lr =	simm.s32 $0x1  }
0x2: {  	[smem:$0x3F9D] =	sst lr;
	_ =	strace $0xD0000000  }
0x3: {  	_ = 	snop  }
0x4: {  	_ = 	snop  }
0x5: {  	_ = 	snop  }
0x6: {  	_ = 	snop  }
0x7: {  	_ = 	snop  }
__scs_overlays_trampoline_lowered:
0x8: {  	[smem:$0x3FAC] =	sst s0  }
0x9: {  	[smem:$0x3FAD] =	sst s1  }
0xa: {  	[smem:$0x3FAE] =	sst s2  }
0xb: {  	[smem:$0x3FAF] =	sst s3  }
0xc: {  	[smem:$0x3FB0] =	sst s4  }
0xd: {  	[smem:$0x3FB1] =	sst s5  }
0xe: {  	[smem:$0x3FB2] =	sst s6  }
0xf: {  	[smem:$0x3FB3] =	sst s7  }
0x10: {  	[smem:$0x3FB4] =	sst s8  }
0x11: {  	[smem:$0x3FB5] =	sst s9;
	s0 =	simm.s32 @!p0 $0x0  }
0x12: {  	s1 =	sld [smem:$0x3F9B];
	s0 =	simm.s32 @p0 $0x1  }
0x13: {  	[smem:$0x3FB6] =	sst s0;
	s0 =	simm.s32 @!p1 $0x0  }
0x14: {  	s2 =	sld [smem:$0x3F9A];
	s0 =	simm.s32 @p1 $0x1  }
0x15: {  	[smem:$0x3FB7] =	sst s0;
	s0 =	simm.s32 @!p2 $0x0  }
0x16: {  	s3 =	sld [smem:$0x3FDB];
	s0 =	simm.s32 @p2 $0x1  }
0x17: {  	s4 =	simm.s32 $0x1BF5;
	[smem:$0x3FB9] =	sst s0  }
0x18: {  	s0 =	sld [smem:$0x3F9C];
	_ =	swait.ge [sflag:s4], $0x0  }
0x19: {  	s7 =	sld [smem:$0x3F9D]  }
0x1a: {  	s8 =	sadd.s32 $0xFFFFE003, lr  }
0x1b: {  	s9 =	sadd.s32 $0xFFFFFEF7, lr;
	s5 =	simm.s32 $0xFFFFFFFF;
	p2 =	slt.u32 s8, $0xFFFFF086  }
0x1c: {  	p1 =	slt.u32 s9, $0xF7A;
	s5 =	simm.s32 @!p2 $0x0  }
0x1d: {  	s5 =	simm.s32 @p1 $0x1;
	p0 =	seq.s32 s7, s2  }
0x1e: {  	s7 =	smul.u32 @!p0 $0xF7A, s2;
	p2 =	seq.s32 @!p0 s5, $0x0  }
0x1f: {  	s9 =	smul.u32 $0xF7A, s1;
	s8 =	simm.s32 @!p0 $0x1BF5;
	p2 =	por !p2, p0  }
0x20: {  	[sflag:s8] =	ssyncset.s32 @!p0 $0xFFFFF086;
	s6 =	sadd.s32 @!p0 s3, s7;
	s7 =	simm.s32 @!p0 $0x108  }
0x21: {  	s3 =	sadd.s32 s3, s9;
	s6 =	sadd.s32 @!p0 $0x88, s6;
	s7 =	simm.s32 @p2 $0x1082  }
0x22: {  	[simem:s7], [sflag:s8] =	dma.local @!p0 [hbm:s6], $0xF7A  }
0x23: {  	s9 =	sor.u32 $0xD0000000, s2;
	s6 =	simm.s32 $0x108;
	_ =	swait.ge @!p0 [sflag:s8], $0x0  }
0x24: {  	s3 =	sadd.s32 $0x88, s3;
	s6 =	simm.s32 @!p1 $0x1082;
	[sflag:s4] =	ssyncset.s32 $0xFFFFF086  }
0x25: {  	[simem:s6], [sflag:s4] =	dma.local [hbm:s3], $0xF7A  }
0x26: {  	[smem:$0x3F9D] =	sst s1;
	(tag) =	ssettag s2;
	_ =	strace s9  }
0x27: {  	s1 =	sld [smem:$0x3FAD]  }
0x28: {  	s2 =	sld [smem:$0x3FAE]  }
0x29: {  	s4 =	sld [smem:$0x3FB0]  }
0x2a: {  	p0 =	seq.s32 s5, $0x0;
	s5 =	sld [smem:$0x3FB1]  }
0x2b: {  	s6 =	sld [smem:$0x3FB2]  }
0x2c: {  	s7 =	sld [smem:$0x3FB3]  }
0x2d: {  	s3 =	simm.s32 $0x108;
	s8 =	sld [smem:$0x3FB4]  }
0x2e: {  	s3 =	simm.s32 @!p0 $0x1082;
	s9 =	sld [smem:$0x3FB5]  }
0x2f: {  	lr =	sadd.s32 s0, s3;
	s0 =	sld [smem:$0x3FAC]  }
0x30: {  	s3 =	sld [smem:$0x3FAF]  }
0x31: {  	[smem:$0x3FB8] =	sst s10  }
0x32: {  	s10 =	sld [smem:$0x3FB6];
	_ =	sdelay $0x3  }
0x33: {  	p0 =	seq.s32 s10, $0x1;
	s10 =	sld [smem:$0x3FB8];
	_ =	sdelay $0x3  }
0x34: {  	[smem:$0x3FB8] =	sst s10  }
0x35: {  	s10 =	sld [smem:$0x3FB7];
	_ =	sdelay $0x3  }
0x36: {  	p1 =	seq.s32 s10, $0x1;
	s10 =	sld [smem:$0x3FB8];
	_ =	sdelay $0x3  }
0x37: {  	[smem:$0x3FB8] =	sst s10  }
0x38: {  	s10 =	sld [smem:$0x3FB9]  }
0x39: {  	_ = 	snop;
	(pc) =	sbr.ind lr, $3  }
0x3a: {  	_ = 	snop  }
0x3b: {  	_ = 	snop  }
0x3c: {  	p2 =	seq.s32 s10, $0x1;
	s10 =	sld [smem:$0x3FB8]  }
0x3d: {  	_ =	shalt  }
0x3e: {  	_ =	shalt  }
0x3f: {  	_ =	shalt  }
0x40: {  	_ =	shalt  }
0x41: {  	_ =	shalt  }
0x42: {  	_ =	shalt  }
0x43: {  	_ =	shalt  }
0x44: {  	_ =	shalt  }
0x45: {  	_ =	shalt  }
0x46: {  	_ =	shalt  }
0x47: {  	_ =	shalt  }
0x48: {  	_ =	shalt  }
0x49: {  	_ =	shalt  }
0x4a: {  	_ =	shalt  }
0x4b: {  	_ =	shalt  }
0x4c: {  	_ =	shalt  }
0x4d: {  	_ =	shalt  }
0x4e: {  	_ =	shalt  }
0x4f: {  	_ =	shalt  }
0x50: {  	_ =	shalt  }
0x51: {  	_ =	shalt  }
0x52: {  	_ =	shalt  }
0x53: {  	_ =	shalt  }
0x54: {  	_ =	shalt  }
0x55: {  	_ =	shalt  }
0x56: {  	_ =	shalt  }
0x57: {  	_ =	shalt  }
0x58: {  	_ =	shalt  }
0x59: {  	_ =	shalt  }
0x5a: {  	_ =	shalt  }
0x5b: {  	_ =	shalt  }
0x5c: {  	_ =	shalt  }
0x5d: {  	_ =	shalt  }
0x5e: {  	_ =	shalt  }
0x5f: {  	_ =	shalt  }
0x60: {  	_ =	shalt  }
0x61: {  	_ =	shalt  }
0x62: {  	_ =	shalt  }
0x63: {  	_ =	shalt  }
0x64: {  	_ =	shalt  }
0x65: {  	_ =	shalt  }
0x66: {  	_ =	shalt  }
0x67: {  	_ =	shalt  }
0x68: {  	_ =	shalt  }
0x69: {  	_ =	shalt  }
0x6a: {  	_ =	shalt  }
0x6b: {  	_ =	shalt  }
0x6c: {  	_ =	shalt  }
0x6d: {  	_ =	shalt  }
0x6e: {  	_ =	shalt  }
0x6f: {  	_ =	shalt  }
0x70: {  	_ =	shalt  }
0x71: {  	_ =	shalt  }
0x72: {  	_ =	shalt  }
0x73: {  	_ =	shalt  }
0x74: {  	_ =	shalt  }
0x75: {  	_ =	shalt  }
0x76: {  	_ =	shalt  }
0x77: {  	_ =	shalt  }
0x78: {  	_ =	shalt  }
0x79: {  	_ =	shalt  }
0x7a: {  	_ =	shalt  }
0x7b: {  	_ =	shalt  }
0x7c: {  	_ =	shalt  }
0x7d: {  	_ =	shalt  }
0x7e: {  	_ =	shalt  }
0x7f: {  	_ =	shalt  }
0x80: {  	_ =	shalt  }
0x81: {  	_ =	shalt  }
0x82: {  	_ =	shalt  }
0x83: {  	_ =	shalt  }
0x84: {  	_ =	shalt  }
0x85: {  	_ =	shalt  }
0x86: {  	_ =	shalt  }
0x87: {  	_ =	shalt  }
.Lfunc_end0:
.L_simem_size_0:
called_computation_lowered:
.L_overlay_start_0:
0x88: {  	s2 =	sld [smem:$0x3FD9]  }
0x89: {  	s3 =	sld [smem:$0x3FFE];
	_ =	sdelay $0x1  }
0x8a: {  	s1 =	srdreg.scid  }
0x8b: {  	s0 =	sand.u32 $0x1, s1  }
0x8c: {  	s17 =	sshll.u32 s0, $0xA;
	s2 =	sadd.s32 s3, s2  }
0x8d: {  	s2 =	sadd.s32 s2, s17  }
0x8e: {  	[smem:$0x3FC4] =	sst s2  }
0x8f: {  	_ = 	snop  }
0x90: {  	s2 =	sld [smem:$0x3FC9]  }
0x91: {  	s18 =	sld [smem:$0x3FC7]  }
0x92: {  	s4 =	sld [smem:$0x3FD0];
	(tm) =	ssettm $0x1  }
0x93: {  	s5 =	sld [smem:$0x3FFB];
	_ =	sdelay $0x3  }
0x94: {  	_ =	strace s5  }
0x95: {  	s5 =	sld [smem:$0x3FFC];
	_ =	sdelay $0x3  }
0x96: {  	_ =	strace s5  }
0x97: {  	s5 =	sld [smem:$0x3FFD];
	_ =	sdelay $0x3  }
0x98: {  	_ =	strace s5  }
0x99: {  	_ =	strace $0x8FFFFFFF  }
0x9a: {  	s19 =	sld [smem:$0x3FDB];
	_ =	sdelay $0x1  }
0x9b: {  	s6 =	simm.s32 $_scs_section_size  }
0x9c: {  	s7 =	simm.s32 $_size__tile_overlayer_lowered;
	s8 =	simm.s32 $_tile_overlayer_lowered  }
0x9d: {  	s22 =	simm.s32 $0x1BFF;
	s21 =	sshll.u32 s8, $0x1;
	s5 =	sadd.s32 s6, s19  }
0x9e: {  	s9 =	simm.s32 $0x0;
	s20 =	sshll.u32 s7, $0x1;
	s7 =	sadd.s32 s21, s5  }
0x9f: {  	[timem:s9], [sflag:s22] =	dma.local [hbm:s7], s20  }
0xa0: {  	_ =	swait.ge [sflag:s22], s20  }
0xa1: {  	s6 =	ssub.s32 $0x0, s20;
	[sflag:s22] =	ssyncset.done $0x0  }
0xa2: {  	[sflag:s22] =	ssyncadd.s32 s6;
	_ =	sdelay $0x1  }
0xa3: {  	s23 =	simm.s32 $0x1B8B  }
0xa4: {  	_ =	swait.ge [sflag:s23], $0x1  }
0xa5: {  	[sflag:s23] =	ssyncset.done $0x0  }
0xa6: {  	s25 =	simm.s32 $0x1B8E;
	s24 =	sld [smem:$0x3FFE];
	[sflag:s23] =	ssyncadd.s32 $0xFFFFFFFF  }
0xa7: {  	s26 =	simm.s32 $execute0_lowered;
	[smem:$0x3FD2] =	sst s25  }
0xa8: {  	s7 =	sshll.u32 s26, $0x1;
	_ =	strace $0x80000046;
	[dreg:$0x1] =	wrdreg $0xFFFFFFFF  }
0xa9: {  	s28 =	simm.s32 $_size_execute0_lowered;
	s5 =	sadd.s32 s5, s7;
	[dreg:$0x0] =	wrdreg $0x0  }
0xaa: {  	s7 =	sshll.u32 s28, $0x1;
	[dreg:$0x2] =	wrdreg s5  }
0xab: {  	[dreg:$0x3] =	wrdreg s7  }
0xac: {  	[dreg:$0x4] =	wrdreg $0xC0  }
0xad: {  	_ =	task [dreg:s9], $0x5FFFF  }
0xae: {  	[dreg:$0x1] =	wrdreg $0xFFFFFFFF  }
0xaf: {  	[dreg:$0x0] =	wrdreg $0x60  }
0xb0: {  	[dreg:$0x2] =	wrdreg s2  }
0xb1: {  	[dreg:$0x3] =	wrdreg s24  }
0xb2: {  	[dreg:$0x4] =	wrdreg s18  }
0xb3: {  	[dreg:$0x5] =	wrdreg s4  }
0xb4: {  	[dreg:$0x6] =	wrdreg $0xF1800  }
0xb5: {  	[dreg:$0x7] =	wrdreg $0xF1880  }
0xb6: {  	[dreg:$0x8] =	wrdreg $0x9  }
0xb7: {  	_ =	task.clear_ibuf [dreg:s9], $0x9FFFF;
	_ =	strace $0x90000046  }
0xb8: {  	s29 =	simm.s32 $0x9;
	_ =	strace $0x80000048  }
0xb9: {  	_ =	swait.ge [sflag:s29], $0x1  }
0xba: {  	[sflag:s29] =	ssyncadd.s32 $0xFFFFFFFF  }
0xbb: {  	_ =	strace $0x90000048  }
0xbc: {  	_ =	sfence  }
0xbd: {  	s30 =	sld [smem:$0x0];
	_ =	sdelay $0x2  }
0xbe: {  	s31 =	sshll.u32 s1, $0xD;
	s1 =	sshrl.u32 s1, $0x2  }
0xbf: {  	s3 =	sand.u32 $0x4000, s31;
	s1 =	sadd.s32 s1, s30  }
0xc0: {  	s0 =	sor.u32 s3, s0;
	s1 =	sshll.u32 s1, $0x11  }
0xc1: {  	s0 =	sor.u32 s1, s0  }
0xc2: {  	s0 =	sadd.s32 $0x8F2B, s0  }
0xc3: {  	[sflag:s0] =	ssyncadd.remote.s32 $0x1  }
0xc4: {  	_ =	sfence.sel $0xFFFF  }
0xc5: {  	[dreg:$0x0] =	wrdreg $0xFFFFFFFF;
	(pc) =	sbr.abs _section_cstart, $3  }
0xc6: {  	[dreg:$0x1] =	wrdreg $0xFFFFFFFF  }
0xc7: {  	_ =	task.clear_ibuf [dreg:s9], $0x2FFFF;
	_ =	strace $0x9FFFFFFF  }
0xc8: {  	(tm) =	ssettm $0x7FFFFFFF  }
0xc9: {  	_ =	shalt  }
tec
execute0_lowered:
.L_overlay_start_1:
0x0: {  	(tag) =	ssettag $0x1  }
0x1: {  	s0 =	rddreg [dreg:$0x0]  }
0x2: {  	s1 =	rddreg [dreg:$0x1]  }
0x3: {  	s3 =	rddreg [dreg:$0x3]  }
0x4: {  	s8 =	rddreg [dreg:$0x4]  }
0x5: {  	s16 =	rddreg [dreg:$0x5];
	s6 =	simm.s32 $0x0;
	s2 =	srdreg.scid  }
0x6: {  	s4 =	stileid.u32;
	s17 =	simm.s32 $0x5;
	s21 =	simm.s32 $0x400  }
0x7: {  	s22 =	simm.s32 $0xC8000;
	s23 =	simm.s32 $0x1;
	s28 =	simm.s32 $0x2  }
0x8: {  	s29 =	simm.s32 $0x9000;
	s30 =	simm.s32 $0x3;
	s31 =	simm.s32 $0x4  }
0x9: {  	[smem:$0x7FF] =	sst s6;
	s2 =	sand.u32 $0x1, s2;
	s5 =	sadd.s32 $0x400, s1  }
0xa: {  	s24 =	sshll.u32 s4, $0xB;
	s9 =	sadd.s32 $0x600, s1;
	s10 =	sadd.s32 $0x800, s1  }
0xb: {  	p0 =	sne.s32 s4, $0x0;
	_ =	strace $0x80000047;
	[dreg:$0x7] =	wrdreg s5  }
0xc: {  	s7 =	sshll.u32 s2, $0xA;
	[dreg:$0x8] =	wrdreg s9;
	s2 =	ssub.s32 $0x2, s2  }
0xd: {  	s15 =	sshrl.u32 @!p0 s8, $0x3;
	s16 =	sshrl.u32 @!p0 s16, $0x3;
	s9 =	sor.u32 s7, s24  }
0xe: {  	s25 =	sshrl.u32 s2, $0x1;
	s24 =	simm.s32 $0x1800;
	s5 =	sshrl.u32 s9, $0x3  }
0xf: {  	s1 =	ssub.s32 s2, s25;
	s12 =	sor.u32 $0x10000, s9;
	s25 =	simm.s32 $0x8000  }
0x10: {  	s11 =	sadd.s32 s0, s5;
	s26 =	sadd.s32 s5, s3;
	s14 =	smax.u32 s1, $0x1  }
0x11: {  	s1 =	simm.s32 $0x0;
	s13 =	sadd.s32 $0x240000, s26;
	s26 =	simm.s32 $0x3000  }
.LBB2_1:
0x12: {  	s2 =	simm.s32 @!p0 $0x1C05;
	s4 =	rddreg [dreg:$0x7]  }
0x13: {  	[spmem:s15], [sflag:s2] =	dma.local @!p0 [hbm:s4], $0x10  }
0x14: {  	s4 =	simm.s32 @!p0 $0x5  }
0x15: {  	_ =	swait.ge @!p0 [sflag:s4], $0x10  }
0x16: {  	[sflag:s4] =	ssyncset.done @!p0 $0x0  }
0x17: {  	[sflag:s4] =	ssyncadd.s32 @!p0 $0xFFFFFFF0  }
0x18: {  	s5 =	rddreg [dreg:$0x2]  }
0x19: {  	[spmem:s16], [sflag:s2] =	dma.local @!p0 [hbm:s5], $0x10  }
0x1a: {  	_ =	swait.ge @!p0 [sflag:s4], $0x10  }
0x1b: {  	[sflag:s4] =	ssyncset.done @!p0 $0x0  }
0x1c: {  	[sflag:s4] =	ssyncadd.s32 @!p0 $0xFFFFFFF0  }
0x1d: {  	[bflag:$0x0] =	sbarrier.arrive $0xFFFF  }
0x1e: {  	s5 =	rddreg [dreg:$0x4]  }
0x1f: {  	[smem:s6], [sflag:$0x5] =	stream.linear.gather [spmem:s5], $0x80, $0x38;
	[tilespmem:$0xF190] =	vst v63  }
0x20: {  	_ =	swait.ge [sflag:s17], $0x80  }
0x21: {  	[sflag:s17] =	ssyncset.done $0x0  }
0x22: {  	[sflag:s17] =	ssyncadd.s32 $0xFFFFFF80  }
0x23: {  	s8 =	simm.s32 $0x80;
	s7 =	rddreg [dreg:$0x5]  }
0x24: {  	[smem:s8], [sflag:$0x5] =	stream.linear.gather [spmem:s7], $0x80, $0x38;
	[tilespmem:$0xF190] =	vst v63  }
0x25: {  	_ =	swait.ge [sflag:s17], $0x80  }
0x26: {  	[sflag:s17] =	ssyncset.done $0x0  }
0x27: {  	s19 =	simm.s32 $0xF000;
	s18 =	rddreg [dreg:$0x8];
	[sflag:s17] =	ssyncadd.s32 $0xFFFFFF80  }
0x28: {  	[tilespmem:s19], [sflag:$0x5] =	stream.linear.gather [hbm4b:s18+s6], $0x100, $0x38;
	[tilespmem:$0xF190] =	vst v63  }
0x29: {  	_ =	swait.ge [sflag:s17], $0x100  }
0x2a: {  	[sflag:s17] =	ssyncset.done $0x0  }
0x2b: {  	s20 =	simm.s32 $0xF100;
	[sflag:s17] =	ssyncadd.s32 $0xFFFFFF00  }
0x2c: {  	[tilespmem:s20], [sflag:$0x5] =	stream.linear.gather [hbm4b:s10+s6], $0x80, $0x38;
	[tilespmem:$0xF190] =	vst v63  }
0x2d: {  	_ =	swait.ge [sflag:s17], $0x80  }
0x2e: {  	[sflag:s17] =	ssyncset.done $0x0  }
0x2f: {  	s2 =	simm.s32 $0x0;
	[sflag:s17] =	ssyncadd.s32 $0xFFFFFF80  }
0x30: {  	[tilespmem:s6], [sflag:$0x1] =	stream.strided.gather [hbm4b:s11+s21], $0x1800, s22, s21, $0x38;
	[tilespmem:$0xF190] =	vst v63  }
.LBB2_2:
0x31: {  	s4 =	sshll.u32 s2, $0x4  }
0x32: {  	s4 =	sor.u32 $0x8, s4  }
0x33: {  	s5 =	sshll.u32 s4, $0xC  }
0x34: {  	_ =	swait.ge [sflag:s23], $0x1800;
	s5 =	sor.u32 s9, s5  }
0x35: {  	[sflag:s23] =	ssyncset.done $0x0;
	s5 =	sshrl.u32 s5, $0x3  }
0x36: {  	p1 =	seq.s32 s2, $0x0;
	[sflag:s23] =	ssyncadd.s32 $0xFFFFE800;
	s5 =	sadd.s32 s0, s5  }
0x37: {  	[tilespmem:s24], [sflag:$0x2] =	stream.strided.gather [hbm4b:s5+s21], $0x1800, s22, s21, $0x38;
	[tilespmem:$0xF190] =	vst v63  }
0x38: {  	s5 =	simm.s32 @!p1 $0x3  }
0x39: {  	_ =	swait.ge @!p1 [sflag:s5], $0x6000  }
0x3a: {  	[sflag:s5] =	ssyncset.done @!p1 $0x0  }
0x3b: {  	s20 =	simm.s32 $0x0;
	[sflag:s5] =	ssyncadd.s32 @!p1 $0xFFFFA000  }
0x3c: {  	v0 =	vld [tilespmem:s20+$0x0];
	_ =	sdelay $0x3  }
0x3d: {  	s18 =	simm.s32 $0x3040;
	s19 =	simm.s32 $0x80  }
0x3e: {  	v1 =	vld [tilespmem:s19+$0x0];
	[tilespmem:s18+$0xFFFFFFC0] =	vst v0  }
0x3f: {  	v0 =	vld [tilespmem:s20+$0x40];
	_ =	sdelay $0x2  }
0x40: {  	s7 =	simm.s32 $0x400;
	s5 =	sshll.u32 s2, $0x10;
	s20 =	simm.s32 $0x3C40  }
.LBB2_3:
0x41: {  	s8 =	sshra.s32 s7, $0x2;
	[tilespmem:s20+$0xFFFFFFC0] =	vst v1;
	p2 =	sne.s32 s7, $0xE00  }
.Ltmp0:
0x42: {  	s7 =	sadd.s32 $0x200, s7;
	v1 =	vld [tilespmem:s8+$0x0];
	[tilespmem:s18+$0x0] =	vst v0;
	(pc) =	sbr.rel @p2 .LBB2_3-.Ltmp0, $2  }
0x43: {  	s18 =	smov.u32 s20;
	v0 =	vld [tilespmem:s19+$0x40];
	s19 =	smov.u32 s8;
	_ =	sdelay $0x2  }
0x44: {  	s20 =	sadd.s32 $0xC00, s20  }
0x45: {  	[tilespmem:s20+$0xFFFFFFC0] =	vst v1  }
0x46: {  	v1 =	vld [tilespmem:s19+$0x40]  }
0x47: {  	s7 =	smul.u32 $0x180000, s2;
	_ =	sdelay $0x1  }
0x48: {  	s7 =	sor.u32 s9, s7  }
0x49: {  	[tilespmem:s18+$0x0] =	vst v0;
	s7 =	sshrl.u32 s7, $0x3  }
0x4a: {  	s7 =	sadd.s32 s3, s7;
	[tilespmem:s20+$0x0] =	vst v1  }
0x4b: {  	[hbm4b:s7+s21] =	stream.strided.scatter [tilespmem:s26], [sflag:$0x3], $0x6000, s25, s21, $0x38;
	[tilespmem:$0xF190] =	vst v63  }
0x4c: {  	s5 =	sadd.s32 s12, s5;
	_ =	swait.ge [sflag:s28], $0x1800  }
0x4d: {  	s5 =	sshrl.u32 s5, $0x3;
	[sflag:s28] =	ssyncset.done $0x0  }
0x4e: {  	s5 =	sadd.s32 s0, s5;
	[sflag:s28] =	ssyncadd.s32 $0xFFFFE800  }
0x4f: {  	[tilespmem:s6], [sflag:$0x1] =	stream.strided.gather [hbm4b:s5+s21], $0x1800, s22, s21, $0x38;
	[tilespmem:$0xF190] =	vst v63  }
0x50: {  	s5 =	simm.s32 @!p1 $0x4  }
0x51: {  	_ =	swait.ge @!p1 [sflag:s5], $0x6000  }
0x52: {  	[sflag:s5] =	ssyncset.done @!p1 $0x0  }
0x53: {  	s8 =	simm.s32 $0x1840;
	[sflag:s5] =	ssyncadd.s32 @!p1 $0xFFFFA000  }
0x54: {  	v0 =	vld [tilespmem:s8+$0xFFFFFFC0];
	_ =	sdelay $0x3  }
0x55: {  	s18 =	simm.s32 $0x18C0;
	s5 =	simm.s32 $0xFFFFA000  }
0x56: {  	v1 =	vld [tilespmem:s18+$0xFFFFFFC0];
	[tilespmem:s5+$0xF000] =	vst v0  }
0x57: {  	v0 =	vld [tilespmem:s8+$0x0];
	_ =	sdelay $0x2  }
0x58: {  	s20 =	simm.s32 $0xFFFFAC00  }
0x59: {  	s19 =	simm.s32 $0xFFFEE000;
	s7 =	simm.s32 $0x1940;
	[tilespmem:s20+$0xF000] =	vst v1  }
.LBB2_5:
0x5a: {  	v1 =	vld [tilespmem:s7+$0xFFFFFFC0];
	[tilespmem:s5+$0xF040] =	vst v0;
	s8 =	smov.u32 s19;
	s5 =	smov.u32 s20;
	p1 =	sne.s32 s19, $0xFFFFD000  }
.Ltmp1:
0x5b: {  	s19 =	sadd.s32 $0x3000, s19;
	v0 =	vld [tilespmem:s18+$0x0];
	(pc) =	sbr.rel @p1 .LBB2_5-.Ltmp1, $3  }
0x5c: {  	s18 =	smov.u32 s7;
	_ =	sdelay $0x1  }
0x5d: {  	s20 =	sshra.s32 s8, $0x2  }
0x5e: {  	s7 =	sadd.s32 $0x80, s7;
	[tilespmem:s20+$0xF000] =	vst v1  }
0x5f: {  	v1 =	vld [tilespmem:s18+$0x0];
	s2 =	sadd.s32 $0x1, s2  }
0x60: {  	s4 =	smul.u32 $0x18000, s4;
	p1 =	sne.s32 s2, $0xC  }
.Ltmp2:
0x61: {  	_ = 	snop;
	(pc) =	sbr.rel @p1 .LBB2_2-.Ltmp2, $4  }
0x62: {  	s4 =	sor.u32 s9, s4  }
0x63: {  	[tilespmem:s5+$0xF040] =	vst v0;
	s4 =	sshrl.u32 s4, $0x3  }
0x64: {  	s4 =	sadd.s32 s3, s4;
	[tilespmem:s20+$0xF040] =	vst v1  }
0x65: {  	[hbm4b:s4+s21] =	stream.strided.scatter [tilespmem:s29], [sflag:$0x4], $0x6000, s25, s21, $0x38;
	[tilespmem:$0xF190] =	vst v63  }
0x66: {  	_ =	swait.ge [sflag:s23], $0x1800  }
0x67: {  	[sflag:s23] =	ssyncset.done $0x0  }
0x68: {  	[sflag:s23] =	ssyncadd.s32 $0xFFFFE800  }
0x69: {  	_ =	swait.ge [sflag:s30], $0x6000  }
0x6a: {  	[sflag:s30] =	ssyncset.done $0x0  }
0x6b: {  	s5 =	simm.s32 $0x0;
	[sflag:s30] =	ssyncadd.s32 $0xFFFFA000  }
0x6c: {  	v0 =	vld [tilespmem:s5+$0x0];
	_ =	sdelay $0x3  }
0x6d: {  	s4 =	simm.s32 $0x3040;
	s2 =	simm.s32 $0x80  }
0x6e: {  	[tilespmem:s4+$0xFFFFFFC0] =	vst v0;
	v0 =	vld [tilespmem:s2+$0x0]  }
0x6f: {  	v1 =	vld [tilespmem:s5+$0x40];
	_ =	sdelay $0x2  }
0x70: {  	s7 =	simm.s32 $0x400;
	s5 =	simm.s32 $0x3C40  }
.LBB2_8:
0x71: {  	s8 =	sshra.s32 s7, $0x2;
	[tilespmem:s5+$0xFFFFFFC0] =	vst v0;
	p1 =	sne.s32 s7, $0xE00  }
.Ltmp3:
0x72: {  	s7 =	sadd.s32 $0x200, s7;
	v0 =	vld [tilespmem:s8+$0x0];
	[tilespmem:s4+$0x0] =	vst v1;
	(pc) =	sbr.rel @p1 .LBB2_8-.Ltmp3, $2  }
0x73: {  	s4 =	smov.u32 s5;
	v1 =	vld [tilespmem:s2+$0x40];
	s2 =	smov.u32 s8;
	_ =	sdelay $0x2  }
0x74: {  	s5 =	sadd.s32 $0xC00, s5  }
0x75: {  	[tilespmem:s5+$0xFFFFFFC0] =	vst v0  }
0x76: {  	v0 =	vld [tilespmem:s2+$0x40];
	_ =	sdelay $0x3  }
0x77: {  	[tilespmem:s4+$0x0] =	vst v1  }
0x78: {  	s1 =	sadd.s32 $0x1, s1;
	[tilespmem:s5+$0x0] =	vst v0  }
0x79: {  	[hbm4b:s13+s21] =	stream.strided.scatter [tilespmem:s26], [sflag:$0x3], $0x6000, s25, s21, $0x38;
	[tilespmem:$0xF190] =	vst v63  }
0x7a: {  	p1 =	sne.s32 s1, s14;
	_ =	swait.ge [sflag:s30], $0x6000  }
.Ltmp4:
0x7b: {  	[sflag:s30] =	ssyncset.done $0x0;
	(pc) =	sbr.rel @p1 .LBB2_1-.Ltmp4, $4  }
0x7c: {  	[sflag:s30] =	ssyncadd.s32 $0xFFFFA000  }
0x7d: {  	_ =	swait.ge [sflag:s31], $0x6000  }
0x7e: {  	[sflag:s31] =	ssyncset.done $0x0  }
0x7f: {  	[sflag:s31] =	ssyncadd.s32 $0xFFFFA000  }
0x80: {  	_ =	sfence.sel $0x180000  }
0x81: {  	[bflag:$0x0] =	sbarrier.arrive $0xFFFF  }
0x82: {  	_ =	strace $0x90000047  }
0x83: {  	[bflag:$0x2] =	sbarrier.arrive $0xFFFF  }
0x84: {  	s0 =	rddreg [dreg:$0x6]  }
0x85: {  	s0 =	sadd.s32 @!p0 $0x100000, s0  }
0x86: {  	[sflag:s0] =	ssyncadd.tile.s32 @!p0 $0x1;
	_ =	shalt  }
.Lfunc_end2:
_tile_overlayer_lowered:
.L_overlay_start_2:
0x87: {  	(tag) =	ssettag $0x2  }
0x88: {  	s0 =	rddreg [dreg:$0x0];
	s2 =	stileid.u32  }
0x89: {  	s1 =	rddreg [dreg:$0x1];
	p0 =	sne.s32 s2, $0x0  }
0x8a: {  	s3 =	rddreg [dreg:$0x2];
	[bflag:$0x3] =	sbarrier.arrive $0xFFFF;
	s2 =	simm.s32 @!p0 $0x1C05  }
0x8b: {  	[timem:s3], [sflag:s2] =	dma.local @!p0 [hbm:s0], s1  }
0x8c: {  	s0 =	simm.s32 @!p0 $0x5  }
0x8d: {  	_ =	swait.ge @!p0 [sflag:s0], s1  }
0x8e: {  	s1 =	ssub.s32 @!p0 $0x0, s1;
	[sflag:s0] =	ssyncset.done @!p0 $0x0  }
0x8f: {  	[sflag:s0] =	ssyncadd.s32 @!p0 s1  }
0x90: {  	[bflag:$0x3] =	sbarrier.arrive $0xFFFF  }
0x91: {  	_ =	shalt  }

</sc_bundles>
